<compile_context>
chip_gen: v7x
topology: tpu7x:2x2x1
jax: 0.10.2.dev20260603
libtpu: 0.0.44.dev20260713+nightly
codegen_flags: <defaults>
</compile_context>

<pallas_src>
import functools

import jax
import jax.numpy as jnp
from jax import lax
from jax.experimental import pallas as pl
from jax.experimental.pallas import tpu as pltpu
from jax.experimental.pallas import tpu_sc as plsc

N = 10000
N_PAD = 10112
D_IN = 128
D_HID = 200
N_CLASSES = 40
C_PAD = 128
E = 320000
NUM_TILES = 32
CHUNK = 128
CHUNKS = 80
E_PAD = NUM_TILES * CHUNKS * CHUNK
ROWS_PER_TILE = N_PAD // 16
_mesh = functools.partial(
    plsc.VectorSubcoreMesh, core_axis_name="c", subcore_axis_name="s")


def _deg_body(edges_hbm, out_hbm, idx_v, hist_v):
  c = lax.axis_index("c")
  s = lax.axis_index("s")
  wid = c * 16 + s
  pltpu.sync_copy(edges_hbm.at[1, wid], idx_v)
  zero16 = jnp.zeros((16,), jnp.float32)

  def zbody(i, carry):
    hist_v[pl.ds(i * 16, 16)] = zero16
    return carry

  lax.fori_loop(0, N_PAD // 16, zbody, 0)
  one16 = jnp.ones((16,), jnp.float32)

  def body(j, carry):
    for k in range(CHUNK // 16):
      idx = idx_v[j, pl.ds(k * 16, 16)]
      plsc.addupdate_scatter(hist_v, [idx], one16)
    return carry

  lax.fori_loop(0, CHUNKS, body, 0)
  pltpu.sync_copy(hist_v, out_hbm.at[c, s])


_deg_kernel = functools.partial(
    pl.kernel,
    out_type=jax.ShapeDtypeStruct((2, 16, N_PAD), jnp.float32),
    mesh=_mesh(),
    scratch_types=[
        pltpu.VMEM((CHUNKS, CHUNK), jnp.int32),
        pltpu.VMEM((N_PAD,), jnp.float32),
    ],
    compiler_params=pltpu.CompilerParams(needs_layout_passes=False),
)(_deg_body)


def _make_agg(width, nbuf, iblk):
  n_groups = CHUNKS // iblk

  def body(tab_hbm, edges_hbm, zeros_hbm, out_hbm,
           src_v, dst_v, rows_v, acc_sh, *sems):
    c = lax.axis_index("c")
    s = lax.axis_index("s")
    wid = c * 16 + s
    r0 = s * ROWS_PER_TILE

    @pl.when(c == 0)
    def _():
      pltpu.sync_copy(tab_hbm.at[pl.ds(r0, ROWS_PER_TILE)],
                      acc_sh.at[pl.ds(r0, ROWS_PER_TILE)])

    @pl.when(c != 0)
    def _():
      pltpu.sync_copy(zeros_hbm.at[pl.ds(r0, ROWS_PER_TILE)],
                      acc_sh.at[pl.ds(r0, ROWS_PER_TILE)])

    plsc.subcore_barrier()

    def group(g, carry):
      pltpu.sync_copy(edges_hbm.at[0, wid, pl.ds(g * iblk, iblk)], src_v)
      pltpu.sync_copy(edges_hbm.at[1, wid, pl.ds(g * iblk, iblk)], dst_v)
      for b in range(nbuf):
        pltpu.async_copy(tab_hbm.at[src_v.at[b]], rows_v.at[b], sems[b])

      def inner(j0, cy):
        for b in range(nbuf):
          j = j0 + b
          pltpu.make_async_copy(
              tab_hbm.at[src_v.at[j]], rows_v.at[b], sems[b]).wait()
          pltpu.sync_copy(rows_v.at[b], acc_sh.at[dst_v.at[j]], add=True)

          @pl.when(j + nbuf < iblk)
          def _():
            pltpu.async_copy(
                tab_hbm.at[src_v.at[j + nbuf]], rows_v.at[b], sems[b])
        return cy

      return lax.fori_loop(0, iblk // nbuf, lambda i, cy: inner(i * nbuf, cy),
                           carry)

    lax.fori_loop(0, n_groups, group, 0)
    plsc.subcore_barrier()
    pltpu.sync_copy(acc_sh.at[pl.ds(r0, ROWS_PER_TILE)],
                    out_hbm.at[c, pl.ds(r0, ROWS_PER_TILE)])

  return functools.partial(
      pl.kernel,
      out_type=jax.ShapeDtypeStruct((2, N_PAD, width), jnp.float32),
      mesh=_mesh(),
      scratch_types=[
          pltpu.VMEM((iblk, CHUNK), jnp.int32),
          pltpu.VMEM((iblk, CHUNK), jnp.int32),
          pltpu.VMEM((nbuf, CHUNK, width), jnp.float32),
          pltpu.VMEM_SHARED((N_PAD, width), jnp.float32),
      ] + [pltpu.SemaphoreType.DMA] * nbuf,
  )(body)


_agg128 = _make_agg(D_IN, nbuf=2, iblk=40)
_agg48 = _make_agg(C_PAD, nbuf=2, iblk=40)



def _dis_body(hists_ref, dis_ref):
  deg = jnp.sum(hists_ref[...], axis=(0, 1)) + 1.0
  dis_ref[...] = lax.rsqrt(deg)[None, :]


def _dis_call(hists):
  return pl.pallas_call(
      _dis_body,
      out_shape=jax.ShapeDtypeStruct((1, N_PAD), jnp.float32),
  )(hists)


def _scale_body(dis_ref, x_ref, ys_ref):
  ys_ref[...] = x_ref[...] * dis_ref[...]


def _scale_call(dis_col, x_pad):
  return pl.pallas_call(
      _scale_body,
      out_shape=jax.ShapeDtypeStruct((N_PAD, D_IN), jnp.float32),
  )(dis_col, x_pad)


def _mid_body(accp_ref, dis_ref, w1_ref, b1_ref, w2_ref, ys2_ref):
  z = (accp_ref[0] + accp_ref[1]) * dis_ref[...]
  h = jnp.dot(z, w1_ref[...], preferred_element_type=jnp.float32)
  h = jnp.maximum(h + b1_ref[...], 0.0)
  g = jnp.dot(h, w2_ref[...], preferred_element_type=jnp.float32)
  ys2_ref[...] = g * dis_ref[...]


def _mid_call(accp, dis, w1, b1r, w2p):
  return pl.pallas_call(
      _mid_body,
      out_shape=jax.ShapeDtypeStruct((N_PAD, C_PAD), jnp.float32),
  )(accp, dis, w1, b1r, w2p)


def _out_body(agg2p_ref, dis_ref, b2_ref, out_ref):
  z = (agg2p_ref[0] + agg2p_ref[1]) * dis_ref[...] + b2_ref[...]
  z = z[:N, :N_CLASSES]
  m = jnp.max(z, axis=1, keepdims=True)
  e = jnp.exp(z - m)
  lse = jnp.log(jnp.sum(e, axis=1, keepdims=True))
  out_ref[...] = z - m - lse


def _out_call(agg2p, dis, b2r):
  return pl.pallas_call(
      _out_body,
      out_shape=jax.ShapeDtypeStruct((N, N_CLASSES), jnp.float32),
  )(agg2p, dis, b2r)


@jax.jit
def kernel(x, edge_index, W1, b1, W2, b2):
  pad = (N + jnp.arange(E_PAD - E, dtype=jnp.int32) % (N_PAD - N))
  edges_t = jnp.concatenate(
      [edge_index.astype(jnp.int32), jnp.stack([pad, pad])], axis=1
  ).reshape(2, NUM_TILES, CHUNKS, CHUNK)

  x_pad = jnp.pad(x, ((0, N_PAD - N), (0, 0)))
  z128 = jnp.zeros((N_PAD, D_IN), jnp.float32)
  w2p = jnp.pad(W2, ((0, 0), (0, C_PAD - N_CLASSES)))
  b1r = b1.reshape(1, D_HID)
  b2r = jnp.pad(b2, (0, C_PAD - N_CLASSES)).reshape(1, C_PAD)

  hists = _deg_kernel(edges_t)
  dis = _dis_call(hists).reshape(N_PAD, 1)
  ys = _scale_call(dis, x_pad)
  accp = _agg128(ys, edges_t, z128)
  ys2 = _mid_call(accp, dis, W1, b1r, w2p)
  agg2p = _agg48(ys2, edges_t, z128)
  return _out_call(agg2p, dis, b2r)

# --- scband reference (transcript-rebuilt; emitter-appended) ---
"""Pipeline reference for scband-method-39367670235865 (READ-ONLY COPY).

The authoritative reference and input builder live on the scoring server;
editing this copy changes nothing except your own understanding.
"""

import jax, jax.numpy as jnp
import numpy as np

N_NODES = 10000
N_EDGES = 320000
D_IN = 128
D_HID = 200
N_CLASSES = 40


def setup_inputs(seed: int = 0) -> dict:
    key = jax.random.key(seed)
    k1, k2, k3, k4, k5, k6 = jax.random.split(key, 6)
    x = jax.random.normal(k1, (N_NODES, D_IN), dtype=jnp.float32)
    edge_index = jax.random.randint(k2, (2, N_EDGES), 0, N_NODES, dtype=jnp.int64)
    # GCNConv parameters (glorot-ish scale)
    W1 = jax.random.normal(k3, (D_IN, D_HID), dtype=jnp.float32) * (1.0 / np.sqrt(D_IN))
    b1 = jnp.zeros((D_HID,), dtype=jnp.float32)
    W2 = jax.random.normal(k4, (D_HID, N_CLASSES), dtype=jnp.float32) * (1.0 / np.sqrt(D_HID))
    b2 = jnp.zeros((N_CLASSES,), dtype=jnp.float32)
    return {"x": x, "edge_index": edge_index, "W1": W1, "b1": b1, "W2": W2, "b2": b2}


def _gcn_conv(x, src, dst, norm, W, b):
    # x' = D^{-1/2} (A + I) D^{-1/2} X W + b, with self-loops already appended to src/dst
    xw = x @ W
    msg = jnp.take(xw, src, axis=0) * norm[:, None]
    out = jnp.zeros((x.shape[0], W.shape[1]), dtype=xw.dtype).at[dst].add(msg)
    return out + b


def reference(x, edge_index, W1, b1, W2, b2):
    N = x.shape[0]
    loop = jnp.arange(N, dtype=edge_index.dtype)
    src = jnp.concatenate([edge_index[0], loop])
    dst = jnp.concatenate([edge_index[1], loop])
    # symmetric normalization (PyG GCNConv default with self-loops)
    deg = jnp.zeros((N,), dtype=jnp.float32).at[dst].add(1.0)
    deg_inv_sqrt = jnp.where(deg > 0, 1.0 / jnp.sqrt(deg), 0.0)
    norm = deg_inv_sqrt[src] * deg_inv_sqrt[dst]
    h = _gcn_conv(x, src, dst, norm, W1, b1)
    h = jax.nn.relu(h)
    # F.dropout(training=self.training): identity in eval mode
    h = _gcn_conv(h, src, dst, norm, W2, b2)
    return jax.nn.log_softmax(h, axis=1)

if __name__ == "__main__":
    import jax
    _d = setup_inputs()
    print(jax.jit(kernel)(*tuple(_d.values())))

</pallas_src>

<mosaic_0001>
#map = affine_map<(d0, d1) -> (0, 0, 0, 0)>
#map1 = affine_map<(d0, d1) -> (0, 0, 0)>
module attributes {stable_mosaic.version = 14 : i64} {
  func.func @_deg_body(%arg0: i32, %arg1: i32, %arg2: memref<2x32x80x128xi32, #tpu.memory_space<hbm>>, %arg3: memref<2x16x10112xf32, #tpu.memory_space<hbm>>, %arg4: memref<80x128xi32, #tpu.memory_space<vmem>>, %arg5: memref<10112xf32, #tpu.memory_space<vmem>>) attributes {dimension_semantics = [#tpu.dimension_semantics<core_parallel>, #tpu.dimension_semantics<subcore_parallel>], iteration_bounds = array<i64: 2, 16>, scalar_prefetch = 0 : i64, scratch_operands = 2 : i64, tpu.core_type = #tpu.core_type<sc_vector_subcore>, window_params = [{transform_indices = #map}, {transform_indices = #map1}]} {
    %mul3A = arith.constant 16 : i32
    %mul3A_0 = arith.muli %arg0, %mul3A : i32
    %add3A = arith.addi %mul3A_0, %arg1 : i32
    %run_scoped3A = arith.constant 1 : i32
    "tpu.region"() ({
      %run_scoped3A_15 = tpu.sem_alloc : memref<!tpu.dma_semaphore, #tpu.memory_space<semaphore_mem>>
      %dma_start3A = arith.constant 0 : i32
      %dma_start3A_16 = arith.constant 0 : i32
      %dma_start3A_17 = tpu.memref_slice %arg2[%run_scoped3A, %add3A, %dma_start3A, %dma_start3A_16] : memref<2x32x80x128xi32, #tpu.memory_space<hbm>> -> memref<1x1x80x128xi32, #tpu.memory_space<hbm>>
      %dma_start3A_18 = tpu.memref_squeeze %dma_start3A_17 : memref<1x1x80x128xi32, #tpu.memory_space<hbm>> -> memref<80x128xi32, #tpu.memory_space<hbm>>
      %dma_start3A_19 = arith.constant 0 : i32
      %dma_start3A_20 = arith.constant 0 : i32
      %dma_start3A_21 = tpu.memref_slice %arg2[%run_scoped3A, %add3A, %dma_start3A_19, %dma_start3A_20] : memref<2x32x80x128xi32, #tpu.memory_space<hbm>> -> memref<1x1x80x128xi32, #tpu.memory_space<hbm>>
      %dma_start3A_22 = tpu.memref_squeeze %dma_start3A_21 : memref<1x1x80x128xi32, #tpu.memory_space<hbm>> -> memref<80x128xi32, #tpu.memory_space<hbm>>
      tpu.enqueue_dma source(%dma_start3A_22 : memref<80x128xi32, #tpu.memory_space<hbm>>) target(%arg4 : memref<80x128xi32, #tpu.memory_space<vmem>>) target_semaphore(%run_scoped3A_15 : memref<!tpu.dma_semaphore, #tpu.memory_space<semaphore_mem>>)
      %dma_wait3A = arith.constant 0 : i32
      %dma_wait3A_23 = arith.constant 0 : i32
      %dma_wait3A_24 = tpu.memref_slice %arg2[%run_scoped3A, %add3A, %dma_wait3A, %dma_wait3A_23] : memref<2x32x80x128xi32, #tpu.memory_space<hbm>> -> memref<1x1x80x128xi32, #tpu.memory_space<hbm>>
      %dma_wait3A_25 = tpu.memref_squeeze %dma_wait3A_24 : memref<1x1x80x128xi32, #tpu.memory_space<hbm>> -> memref<80x128xi32, #tpu.memory_space<hbm>>
      %dma_wait3A_26 = arith.constant 0 : i32
      %dma_wait3A_27 = arith.constant 0 : i32
      %dma_wait3A_28 = tpu.memref_slice %arg2[%run_scoped3A, %add3A, %dma_wait3A_26, %dma_wait3A_27] : memref<2x32x80x128xi32, #tpu.memory_space<hbm>> -> memref<1x1x80x128xi32, #tpu.memory_space<hbm>>
      %dma_wait3A_29 = tpu.memref_squeeze %dma_wait3A_28 : memref<1x1x80x128xi32, #tpu.memory_space<hbm>> -> memref<80x128xi32, #tpu.memory_space<hbm>>
      tpu.wait_dma2 semaphore(%run_scoped3A_15 : memref<!tpu.dma_semaphore, #tpu.memory_space<semaphore_mem>>) src(%dma_wait3A_29 : memref<80x128xi32, #tpu.memory_space<hbm>>) dst(%arg4 : memref<80x128xi32, #tpu.memory_space<vmem>>)
      tpu.yield
    }) : () -> ()
    %broadcast_in_dim3A = arith.constant 0.000000e+00 : f32
    %broadcast_in_dim3A_1 = vector.broadcast %broadcast_in_dim3A : f32 to vector<16xf32>
    %scan3A = arith.constant 0 : i32
    %scan3A_2 = arith.constant 0 : i32
    %scan3A_3 = arith.constant 632 : i32
    %scan3A_4 = arith.addi %scan3A_2, %scan3A_3 : i32
    %scan3A_5 = arith.constant 1 : i32
    scf.for %scan3A_15 = %scan3A_2 to %scan3A_4 step %scan3A_5  : i32 {
      %mul3A_16 = arith.constant 16 : i32
      %mul3A_17 = arith.muli %scan3A_15, %mul3A_16 : i32
      %swap3A = arith.index_cast %mul3A_17 : i32 to index
      %swap3A_18 = tpu.vector_load %arg5[%swap3A] {strides = array<i32>} : memref<10112xf32, #tpu.memory_space<vmem>>, vector<16xf32>,
      tpu.vector_store %arg5[%swap3A], %broadcast_in_dim3A_1 {strides = array<i32>} : memref<10112xf32, #tpu.memory_space<vmem>>, vector<16xf32>,
    }
    %scan3A_6 = arith.constant 632 : i32
    %broadcast_in_dim3A_7 = arith.constant 1.000000e+00 : f32
    %broadcast_in_dim3A_8 = vector.broadcast %broadcast_in_dim3A_7 : f32 to vector<16xf32>
    %scan3A_9 = arith.constant 0 : i32
    %scan3A_10 = arith.constant 0 : i32
    %scan3A_11 = arith.constant 80 : i32
    %scan3A_12 = arith.addi %scan3A_10, %scan3A_11 : i32
    %scan3A_13 = arith.constant 1 : i32
    scf.for %scan3A_15 = %scan3A_10 to %scan3A_12 step %scan3A_13  : i32 {
      %get3A = arith.index_cast %scan3A_15 : i32 to index
      %get3A_16 = arith.constant 0 : index
      %get3A_17 = tpu.vector_load %arg4[%get3A, %get3A_16] {strides = array<i32>} : memref<80x128xi32, #tpu.memory_space<vmem>>, vector<16xi32>,
      tpu.vector_store_idx %arg5[%get3A_17], %broadcast_in_dim3A_8 {add = true} : memref<10112xf32, #tpu.memory_space<vmem>>[vector<16xi32>], vector<16xf32>,
      %get3A_18 = arith.index_cast %scan3A_15 : i32 to index
      %get3A_19 = arith.constant 16 : index
      %get3A_20 = tpu.vector_load %arg4[%get3A_18, %get3A_19] {strides = array<i32>} : memref<80x128xi32, #tpu.memory_space<vmem>>, vector<16xi32>,
      tpu.vector_store_idx %arg5[%get3A_20], %broadcast_in_dim3A_8 {add = true} : memref<10112xf32, #tpu.memory_space<vmem>>[vector<16xi32>], vector<16xf32>,
      %get3A_21 = arith.index_cast %scan3A_15 : i32 to index
      %get3A_22 = arith.constant 32 : index
      %get3A_23 = tpu.vector_load %arg4[%get3A_21, %get3A_22] {strides = array<i32>} : memref<80x128xi32, #tpu.memory_space<vmem>>, vector<16xi32>,
      tpu.vector_store_idx %arg5[%get3A_23], %broadcast_in_dim3A_8 {add = true} : memref<10112xf32, #tpu.memory_space<vmem>>[vector<16xi32>], vector<16xf32>,
      %get3A_24 = arith.index_cast %scan3A_15 : i32 to index
      %get3A_25 = arith.constant 48 : index
      %get3A_26 = tpu.vector_load %arg4[%get3A_24, %get3A_25] {strides = array<i32>} : memref<80x128xi32, #tpu.memory_space<vmem>>, vector<16xi32>,
      tpu.vector_store_idx %arg5[%get3A_26], %broadcast_in_dim3A_8 {add = true} : memref<10112xf32, #tpu.memory_space<vmem>>[vector<16xi32>], vector<16xf32>,
      %get3A_27 = arith.index_cast %scan3A_15 : i32 to index
      %get3A_28 = arith.constant 64 : index
      %get3A_29 = tpu.vector_load %arg4[%get3A_27, %get3A_28] {strides = array<i32>} : memref<80x128xi32, #tpu.memory_space<vmem>>, vector<16xi32>,
      tpu.vector_store_idx %arg5[%get3A_29], %broadcast_in_dim3A_8 {add = true} : memref<10112xf32, #tpu.memory_space<vmem>>[vector<16xi32>], vector<16xf32>,
      %get3A_30 = arith.index_cast %scan3A_15 : i32 to index
      %get3A_31 = arith.constant 80 : index
      %get3A_32 = tpu.vector_load %arg4[%get3A_30, %get3A_31] {strides = array<i32>} : memref<80x128xi32, #tpu.memory_space<vmem>>, vector<16xi32>,
      tpu.vector_store_idx %arg5[%get3A_32], %broadcast_in_dim3A_8 {add = true} : memref<10112xf32, #tpu.memory_space<vmem>>[vector<16xi32>], vector<16xf32>,
      %get3A_33 = arith.index_cast %scan3A_15 : i32 to index
      %get3A_34 = arith.constant 96 : index
      %get3A_35 = tpu.vector_load %arg4[%get3A_33, %get3A_34] {strides = array<i32>} : memref<80x128xi32, #tpu.memory_space<vmem>>, vector<16xi32>,
      tpu.vector_store_idx %arg5[%get3A_35], %broadcast_in_dim3A_8 {add = true} : memref<10112xf32, #tpu.memory_space<vmem>>[vector<16xi32>], vector<16xf32>,
      %get3A_36 = arith.index_cast %scan3A_15 : i32 to index
      %get3A_37 = arith.constant 112 : index
      %get3A_38 = tpu.vector_load %arg4[%get3A_36, %get3A_37] {strides = array<i32>} : memref<80x128xi32, #tpu.memory_space<vmem>>, vector<16xi32>,
      tpu.vector_store_idx %arg5[%get3A_38], %broadcast_in_dim3A_8 {add = true} : memref<10112xf32, #tpu.memory_space<vmem>>[vector<16xi32>], vector<16xf32>,
    }
    %scan3A_14 = arith.constant 80 : i32
    "tpu.region"() ({
      %run_scoped3A_15 = tpu.sem_alloc : memref<!tpu.dma_semaphore, #tpu.memory_space<semaphore_mem>>
      %dma_start3A = arith.constant 0 : i32
      %dma_start3A_16 = tpu.memref_slice %arg3[%arg0, %arg1, %dma_start3A] : memref<2x16x10112xf32, #tpu.memory_space<hbm>> -> memref<1x1x10112xf32, #tpu.memory_space<hbm>>
      %dma_start3A_17 = tpu.memref_squeeze %dma_start3A_16 : memref<1x1x10112xf32, #tpu.memory_space<hbm>> -> memref<10112xf32, #tpu.memory_space<hbm>>
      %dma_start3A_18 = arith.constant 0 : i32
      %dma_start3A_19 = tpu.memref_slice %arg3[%arg0, %arg1, %dma_start3A_18] : memref<2x16x10112xf32, #tpu.memory_space<hbm>> -> memref<1x1x10112xf32, #tpu.memory_space<hbm>>
      %dma_start3A_20 = tpu.memref_squeeze %dma_start3A_19 : memref<1x1x10112xf32, #tpu.memory_space<hbm>> -> memref<10112xf32, #tpu.memory_space<hbm>>
      tpu.enqueue_dma source(%arg5 : memref<10112xf32, #tpu.memory_space<vmem>>) target(%dma_start3A_20 : memref<10112xf32, #tpu.memory_space<hbm>>) target_semaphore(%run_scoped3A_15 : memref<!tpu.dma_semaphore, #tpu.memory_space<semaphore_mem>>)
      %dma_wait3A = arith.constant 0 : i32
      %dma_wait3A_21 = tpu.memref_slice %arg3[%arg0, %arg1, %dma_wait3A] : memref<2x16x10112xf32, #tpu.memory_space<hbm>> -> memref<1x1x10112xf32, #tpu.memory_space<hbm>>
      %dma_wait3A_22 = tpu.memref_squeeze %dma_wait3A_21 : memref<1x1x10112xf32, #tpu.memory_space<hbm>> -> memref<10112xf32, #tpu.memory_space<hbm>>
      %dma_wait3A_23 = arith.constant 0 : i32
      %dma_wait3A_24 = tpu.memref_slice %arg3[%arg0, %arg1, %dma_wait3A_23] : memref<2x16x10112xf32, #tpu.memory_space<hbm>> -> memref<1x1x10112xf32, #tpu.memory_space<hbm>>
      %dma_wait3A_25 = tpu.memref_squeeze %dma_wait3A_24 : memref<1x1x10112xf32, #tpu.memory_space<hbm>> -> memref<10112xf32, #tpu.memory_space<hbm>>
      tpu.wait_dma2 semaphore(%run_scoped3A_15 : memref<!tpu.dma_semaphore, #tpu.memory_space<semaphore_mem>>) src(%arg5 : memref<10112xf32, #tpu.memory_space<vmem>>) dst(%dma_wait3A_25 : memref<10112xf32, #tpu.memory_space<hbm>>)
      tpu.yield
    }) : () -> ()
    return
  }
}

#map = affine_map<(d0, d1) -> (0, 0)>
#map1 = affine_map<(d0, d1) -> (0, 0, 0, 0)>
#map2 = affine_map<(d0, d1) -> (0, 0, 0)>
module attributes {stable_mosaic.version = 14 : i64} {
  func.func @body(%arg0: i32, %arg1: i32, %arg2: memref<10112x128xf32, #tpu.memory_space<hbm>>, %arg3: memref<2x32x80x128xi32, #tpu.memory_space<hbm>>, %arg4: memref<10112x128xf32, #tpu.memory_space<hbm>>, %arg5: memref<2x10112x128xf32, #tpu.memory_space<hbm>>, %arg6: memref<40x128xi32, #tpu.memory_space<vmem>>, %arg7: memref<40x128xi32, #tpu.memory_space<vmem>>, %arg8: memref<2x128x128xf32, #tpu.memory_space<vmem>>, %arg9: memref<10112x128xf32, #tpu.memory_space<vmem_shared>>, %arg10: memref<!tpu.dma_semaphore, #tpu.memory_space<semaphore_mem>>, %arg11: memref<!tpu.dma_semaphore, #tpu.memory_space<semaphore_mem>>) attributes {dimension_semantics = [#tpu.dimension_semantics<core_parallel>, #tpu.dimension_semantics<subcore_parallel>], iteration_bounds = array<i64: 2, 16>, scalar_prefetch = 0 : i64, scratch_operands = 6 : i64, tpu.core_type = #tpu.core_type<sc_vector_subcore>, window_params = [{transform_indices = #map}, {transform_indices = #map1}, {transform_indices = #map}, {transform_indices = #map2}]} {
    %mul3A = arith.constant 16 : i32
    %mul3A_0 = arith.muli %arg0, %mul3A : i32
    %add3A = arith.addi %mul3A_0, %arg1 : i32
    %mul3A_1 = arith.constant 632 : i32
    %mul3A_2 = arith.muli %arg1, %mul3A_1 : i32
    %eq3A = arith.constant 0 : i32
    %eq3A_3 = arith.cmpi eq, %arg0, %eq3A : i32
    %convert_element_type3A = arith.extui %eq3A_3 : i1 to i32
    %cond3A = arith.constant 0 : i32
    %cond3A_4 = arith.cmpi ne, %convert_element_type3A, %cond3A : i32
    scf.if %cond3A_4 {
      "tpu.region"() ({
        %run_scoped3A = tpu.sem_alloc : memref<!tpu.dma_semaphore, #tpu.memory_space<semaphore_mem>>
        %dma_start3A = arith.constant 0 : i32
        %dma_start3A_15 = tpu.memref_slice %arg9[%mul3A_2, %dma_start3A] : memref<10112x128xf32, #tpu.memory_space<vmem_shared>> -> memref<632x128xf32, #tpu.memory_space<vmem_shared>>
        %dma_start3A_16 = arith.constant 0 : i32
        %dma_start3A_17 = tpu.memref_slice %arg2[%mul3A_2, %dma_start3A_16] : memref<10112x128xf32, #tpu.memory_space<hbm>> -> memref<632x128xf32, #tpu.memory_space<hbm>>
        tpu.enqueue_dma source(%dma_start3A_17 : memref<632x128xf32, #tpu.memory_space<hbm>>) target(%dma_start3A_15 : memref<632x128xf32, #tpu.memory_space<vmem_shared>>) target_semaphore(%run_scoped3A : memref<!tpu.dma_semaphore, #tpu.memory_space<semaphore_mem>>)
        %dma_wait3A = arith.constant 0 : i32
        %dma_wait3A_18 = tpu.memref_slice %arg9[%mul3A_2, %dma_wait3A] : memref<10112x128xf32, #tpu.memory_space<vmem_shared>> -> memref<632x128xf32, #tpu.memory_space<vmem_shared>>
        %dma_wait3A_19 = arith.constant 0 : i32
        %dma_wait3A_20 = tpu.memref_slice %arg2[%mul3A_2, %dma_wait3A_19] : memref<10112x128xf32, #tpu.memory_space<hbm>> -> memref<632x128xf32, #tpu.memory_space<hbm>>
        tpu.wait_dma2 semaphore(%run_scoped3A : memref<!tpu.dma_semaphore, #tpu.memory_space<semaphore_mem>>) src(%dma_wait3A_20 : memref<632x128xf32, #tpu.memory_space<hbm>>) dst(%dma_wait3A_18 : memref<632x128xf32, #tpu.memory_space<vmem_shared>>)
        tpu.yield
      }) : () -> ()
    } else {
    }
    %ne3A = arith.constant 0 : i32
    %ne3A_5 = arith.cmpi ne, %arg0, %ne3A : i32
    %convert_element_type3A_6 = arith.extui %ne3A_5 : i1 to i32
    %cond3A_7 = arith.constant 0 : i32
    %cond3A_8 = arith.cmpi ne, %convert_element_type3A_6, %cond3A_7 : i32
    scf.if %cond3A_8 {
      "tpu.region"() ({
        %run_scoped3A = tpu.sem_alloc : memref<!tpu.dma_semaphore, #tpu.memory_space<semaphore_mem>>
        %dma_start3A = arith.constant 0 : i32
        %dma_start3A_15 = tpu.memref_slice %arg9[%mul3A_2, %dma_start3A] : memref<10112x128xf32, #tpu.memory_space<vmem_shared>> -> memref<632x128xf32, #tpu.memory_space<vmem_shared>>
        %dma_start3A_16 = arith.constant 0 : i32
        %dma_start3A_17 = tpu.memref_slice %arg4[%mul3A_2, %dma_start3A_16] : memref<10112x128xf32, #tpu.memory_space<hbm>> -> memref<632x128xf32, #tpu.memory_space<hbm>>
        tpu.enqueue_dma source(%dma_start3A_17 : memref<632x128xf32, #tpu.memory_space<hbm>>) target(%dma_start3A_15 : memref<632x128xf32, #tpu.memory_space<vmem_shared>>) target_semaphore(%run_scoped3A : memref<!tpu.dma_semaphore, #tpu.memory_space<semaphore_mem>>)
        %dma_wait3A = arith.constant 0 : i32
        %dma_wait3A_18 = tpu.memref_slice %arg9[%mul3A_2, %dma_wait3A] : memref<10112x128xf32, #tpu.memory_space<vmem_shared>> -> memref<632x128xf32, #tpu.memory_space<vmem_shared>>
        %dma_wait3A_19 = arith.constant 0 : i32
        %dma_wait3A_20 = tpu.memref_slice %arg4[%mul3A_2, %dma_wait3A_19] : memref<10112x128xf32, #tpu.memory_space<hbm>> -> memref<632x128xf32, #tpu.memory_space<hbm>>
        tpu.wait_dma2 semaphore(%run_scoped3A : memref<!tpu.dma_semaphore, #tpu.memory_space<semaphore_mem>>) src(%dma_wait3A_20 : memref<632x128xf32, #tpu.memory_space<hbm>>) dst(%dma_wait3A_18 : memref<632x128xf32, #tpu.memory_space<vmem_shared>>)
        tpu.yield
      }) : () -> ()
    } else {
    }
    %barrier3A = arith.constant 0 : index
    tpu.barrier barrier_id(%barrier3A)
    %scan3A = arith.constant 0 : i32
    %scan3A_9 = arith.constant 0 : i32
    %scan3A_10 = arith.constant 2 : i32
    %scan3A_11 = arith.addi %scan3A_9, %scan3A_10 : i32
    %scan3A_12 = arith.constant 1 : i32
    scf.for %scan3A_15 = %scan3A_9 to %scan3A_11 step %scan3A_12  : i32 {
      %mul3A_16 = arith.constant 40 : i32
      %mul3A_17 = arith.muli %scan3A_15, %mul3A_16 : i32
      %run_scoped3A = arith.constant 0 : i32
      "tpu.region"() ({
        %run_scoped3A_49 = tpu.sem_alloc : memref<!tpu.dma_semaphore, #tpu.memory_space<semaphore_mem>>
        %dma_start3A_50 = arith.constant 0 : i32
        %dma_start3A_51 = tpu.memref_slice %arg3[%run_scoped3A, %add3A, %mul3A_17, %dma_start3A_50] : memref<2x32x80x128xi32, #tpu.memory_space<hbm>> -> memref<1x1x40x128xi32, #tpu.memory_space<hbm>>
        %dma_start3A_52 = tpu.memref_squeeze %dma_start3A_51 : memref<1x1x40x128xi32, #tpu.memory_space<hbm>> -> memref<40x128xi32, #tpu.memory_space<hbm>>
        %dma_start3A_53 = arith.constant 0 : i32
        %dma_start3A_54 = tpu.memref_slice %arg3[%run_scoped3A, %add3A, %mul3A_17, %dma_start3A_53] : memref<2x32x80x128xi32, #tpu.memory_space<hbm>> -> memref<1x1x40x128xi32, #tpu.memory_space<hbm>>
        %dma_start3A_55 = tpu.memref_squeeze %dma_start3A_54 : memref<1x1x40x128xi32, #tpu.memory_space<hbm>> -> memref<40x128xi32, #tpu.memory_space<hbm>>
        tpu.enqueue_dma source(%dma_start3A_55 : memref<40x128xi32, #tpu.memory_space<hbm>>) target(%arg6 : memref<40x128xi32, #tpu.memory_space<vmem>>) target_semaphore(%run_scoped3A_49 : memref<!tpu.dma_semaphore, #tpu.memory_space<semaphore_mem>>)
        %dma_wait3A = arith.constant 0 : i32
        %dma_wait3A_56 = tpu.memref_slice %arg3[%run_scoped3A, %add3A, %mul3A_17, %dma_wait3A] : memref<2x32x80x128xi32, #tpu.memory_space<hbm>> -> memref<1x1x40x128xi32, #tpu.memory_space<hbm>>
        %dma_wait3A_57 = tpu.memref_squeeze %dma_wait3A_56 : memref<1x1x40x128xi32, #tpu.memory_space<hbm>> -> memref<40x128xi32, #tpu.memory_space<hbm>>
        %dma_wait3A_58 = arith.constant 0 : i32
        %dma_wait3A_59 = tpu.memref_slice %arg3[%run_scoped3A, %add3A, %mul3A_17, %dma_wait3A_58] : memref<2x32x80x128xi32, #tpu.memory_space<hbm>> -> memref<1x1x40x128xi32, #tpu.memory_space<hbm>>
        %dma_wait3A_60 = tpu.memref_squeeze %dma_wait3A_59 : memref<1x1x40x128xi32, #tpu.memory_space<hbm>> -> memref<40x128xi32, #tpu.memory_space<hbm>>
        tpu.wait_dma2 semaphore(%run_scoped3A_49 : memref<!tpu.dma_semaphore, #tpu.memory_space<semaphore_mem>>) src(%dma_wait3A_60 : memref<40x128xi32, #tpu.memory_space<hbm>>) dst(%arg6 : memref<40x128xi32, #tpu.memory_space<vmem>>)
        tpu.yield
      }) : () -> ()
      %mul3A_18 = arith.constant 40 : i32
      %mul3A_19 = arith.muli %scan3A_15, %mul3A_18 : i32
      %run_scoped3A_20 = arith.constant 1 : i32
      "tpu.region"() ({
        %run_scoped3A_49 = tpu.sem_alloc : memref<!tpu.dma_semaphore, #tpu.memory_space<semaphore_mem>>
        %dma_start3A_50 = arith.constant 0 : i32
        %dma_start3A_51 = tpu.memref_slice %arg3[%run_scoped3A_20, %add3A, %mul3A_19, %dma_start3A_50] : memref<2x32x80x128xi32, #tpu.memory_space<hbm>> -> memref<1x1x40x128xi32, #tpu.memory_space<hbm>>
        %dma_start3A_52 = tpu.memref_squeeze %dma_start3A_51 : memref<1x1x40x128xi32, #tpu.memory_space<hbm>> -> memref<40x128xi32, #tpu.memory_space<hbm>>
        %dma_start3A_53 = arith.constant 0 : i32
        %dma_start3A_54 = tpu.memref_slice %arg3[%run_scoped3A_20, %add3A, %mul3A_19, %dma_start3A_53] : memref<2x32x80x128xi32, #tpu.memory_space<hbm>> -> memref<1x1x40x128xi32, #tpu.memory_space<hbm>>
        %dma_start3A_55 = tpu.memref_squeeze %dma_start3A_54 : memref<1x1x40x128xi32, #tpu.memory_space<hbm>> -> memref<40x128xi32, #tpu.memory_space<hbm>>
        tpu.enqueue_dma source(%dma_start3A_55 : memref<40x128xi32, #tpu.memory_space<hbm>>) target(%arg7 : memref<40x128xi32, #tpu.memory_space<vmem>>) target_semaphore(%run_scoped3A_49 : memref<!tpu.dma_semaphore, #tpu.memory_space<semaphore_mem>>)
        %dma_wait3A = arith.constant 0 : i32
        %dma_wait3A_56 = tpu.memref_slice %arg3[%run_scoped3A_20, %add3A, %mul3A_19, %dma_wait3A] : memref<2x32x80x128xi32, #tpu.memory_space<hbm>> -> memref<1x1x40x128xi32, #tpu.memory_space<hbm>>
        %dma_wait3A_57 = tpu.memref_squeeze %dma_wait3A_56 : memref<1x1x40x128xi32, #tpu.memory_space<hbm>> -> memref<40x128xi32, #tpu.memory_space<hbm>>
        %dma_wait3A_58 = arith.constant 0 : i32
        %dma_wait3A_59 = tpu.memref_slice %arg3[%run_scoped3A_20, %add3A, %mul3A_19, %dma_wait3A_58] : memref<2x32x80x128xi32, #tpu.memory_space<hbm>> -> memref<1x1x40x128xi32, #tpu.memory_space<hbm>>
        %dma_wait3A_60 = tpu.memref_squeeze %dma_wait3A_59 : memref<1x1x40x128xi32, #tpu.memory_space<hbm>> -> memref<40x128xi32, #tpu.memory_space<hbm>>
        tpu.wait_dma2 semaphore(%run_scoped3A_49 : memref<!tpu.dma_semaphore, #tpu.memory_space<semaphore_mem>>) src(%dma_wait3A_60 : memref<40x128xi32, #tpu.memory_space<hbm>>) dst(%arg7 : memref<40x128xi32, #tpu.memory_space<vmem>>)
        tpu.yield
      }) : () -> ()
      %dma_start3A = arith.constant 0 : i32
      %dma_start3A_21 = arith.constant 0 : i32
      %dma_start3A_22 = arith.constant 0 : i32
      %dma_start3A_23 = arith.constant 0 : i32
      %dma_start3A_24 = tpu.memref_slice %arg8[%dma_start3A_21, %dma_start3A_22, %dma_start3A_23] : memref<2x128x128xf32, #tpu.memory_space<vmem>> -> memref<1x128x128xf32, #tpu.memory_space<vmem>>
      %dma_start3A_25 = tpu.memref_squeeze %dma_start3A_24 : memref<1x128x128xf32, #tpu.memory_space<vmem>> -> memref<128x128xf32, #tpu.memory_space<vmem>>
      %dma_start3A_26 = arith.constant 0 : i32
      %dma_start3A_27 = tpu.memref_slice %arg6[%dma_start3A, %dma_start3A_26] : memref<40x128xi32, #tpu.memory_space<vmem>> -> memref<1x128xi32, #tpu.memory_space<vmem>>
      %dma_start3A_28 = tpu.memref_squeeze %dma_start3A_27 : memref<1x128xi32, #tpu.memory_space<vmem>> -> memref<128xi32, #tpu.memory_space<vmem>>
      %dma_start3A_29 = arith.constant 0 : i32
      %dma_start3A_30 = arith.constant 0 : i32
      %dma_start3A_31 = tpu.memref_slice %arg2[%dma_start3A_29, %dma_start3A_30] : memref<10112x128xf32, #tpu.memory_space<hbm>> -> memref<10112x128xf32, #tpu.memory_space<hbm>>
      tpu.enqueue_indirect_dma source(%dma_start3A_31 : memref<10112x128xf32, #tpu.memory_space<hbm>>) target(%dma_start3A_25 : memref<128x128xf32, #tpu.memory_space<vmem>>) offsets(%dma_start3A_28 : memref<128xi32, #tpu.memory_space<vmem>>) semaphore(%arg10 : memref<!tpu.dma_semaphore, #tpu.memory_space<semaphore_mem>>)
      %dma_start3A_32 = arith.constant 1 : i32
      %dma_start3A_33 = arith.constant 1 : i32
      %dma_start3A_34 = arith.constant 0 : i32
      %dma_start3A_35 = arith.constant 0 : i32
      %dma_start3A_36 = tpu.memref_slice %arg8[%dma_start3A_33, %dma_start3A_34, %dma_start3A_35] : memref<2x128x128xf32, #tpu.memory_space<vmem>> -> memref<1x128x128xf32, #tpu.memory_space<vmem>>
      %dma_start3A_37 = tpu.memref_squeeze %dma_start3A_36 : memref<1x128x128xf32, #tpu.memory_space<vmem>> -> memref<128x128xf32, #tpu.memory_space<vmem>>
      %dma_start3A_38 = arith.constant 0 : i32
      %dma_start3A_39 = tpu.memref_slice %arg6[%dma_start3A_32, %dma_start3A_38] : memref<40x128xi32, #tpu.memory_space<vmem>> -> memref<1x128xi32, #tpu.memory_space<vmem>>
      %dma_start3A_40 = tpu.memref_squeeze %dma_start3A_39 : memref<1x128xi32, #tpu.memory_space<vmem>> -> memref<128xi32, #tpu.memory_space<vmem>>
      %dma_start3A_41 = arith.constant 0 : i32
      %dma_start3A_42 = arith.constant 0 : i32
      %dma_start3A_43 = tpu.memref_slice %arg2[%dma_start3A_41, %dma_start3A_42] : memref<10112x128xf32, #tpu.memory_space<hbm>> -> memref<10112x128xf32, #tpu.memory_space<hbm>>
      tpu.enqueue_indirect_dma source(%dma_start3A_43 : memref<10112x128xf32, #tpu.memory_space<hbm>>) target(%dma_start3A_37 : memref<128x128xf32, #tpu.memory_space<vmem>>) offsets(%dma_start3A_40 : memref<128xi32, #tpu.memory_space<vmem>>) semaphore(%arg11 : memref<!tpu.dma_semaphore, #tpu.memory_space<semaphore_mem>>)
      %scan3A_44 = arith.constant 0 : i32
      %scan3A_45 = arith.constant 20 : i32
      %scan3A_46 = arith.addi %scan3A_44, %scan3A_45 : i32
      %scan3A_47 = arith.constant 1 : i32
      scf.for %scan3A_49 = %scan3A_44 to %scan3A_46 step %scan3A_47  : i32 {
        %mul3A_50 = arith.constant 2 : i32
        %mul3A_51 = arith.muli %scan3A_49, %mul3A_50 : i32
        %add3A_52 = arith.constant 0 : i32
        %add3A_53 = arith.addi %mul3A_51, %add3A_52 : i32
        %dma_wait3A = arith.constant 0 : i32
        %dma_wait3A_54 = arith.constant 0 : i32
        %dma_wait3A_55 = arith.constant 0 : i32
        %dma_wait3A_56 = tpu.memref_slice %arg8[%dma_wait3A, %dma_wait3A_54, %dma_wait3A_55] : memref<2x128x128xf32, #tpu.memory_space<vmem>> -> memref<1x128x128xf32, #tpu.memory_space<vmem>>
        %dma_wait3A_57 = tpu.memref_squeeze %dma_wait3A_56 : memref<1x128x128xf32, #tpu.memory_space<vmem>> -> memref<128x128xf32, #tpu.memory_space<vmem>>
        %dma_wait3A_58 = arith.constant 0 : i32
        %dma_wait3A_59 = tpu.memref_slice %arg6[%add3A_53, %dma_wait3A_58] : memref<40x128xi32, #tpu.memory_space<vmem>> -> memref<1x128xi32, #tpu.memory_space<vmem>>
        %dma_wait3A_60 = tpu.memref_squeeze %dma_wait3A_59 : memref<1x128xi32, #tpu.memory_space<vmem>> -> memref<128xi32, #tpu.memory_space<vmem>>
        %dma_wait3A_61 = arith.constant 0 : i32
        %dma_wait3A_62 = arith.constant 0 : i32
        %dma_wait3A_63 = tpu.memref_slice %arg2[%dma_wait3A_61, %dma_wait3A_62] : memref<10112x128xf32, #tpu.memory_space<hbm>> -> memref<10112x128xf32, #tpu.memory_space<hbm>>
        tpu.wait_indirect_dma semaphore(%arg10 : memref<!tpu.dma_semaphore, #tpu.memory_space<semaphore_mem>>) src(%dma_wait3A_63 : memref<10112x128xf32, #tpu.memory_space<hbm>>) dst(%dma_wait3A_57 : memref<128x128xf32, #tpu.memory_space<vmem>>)
        %run_scoped3A_64 = arith.constant 0 : i32
        "tpu.region"() ({
          %run_scoped3A_92 = tpu.sem_alloc : memref<!tpu.dma_semaphore, #tpu.memory_space<semaphore_mem>>
          %dma_start3A_93 = arith.constant 0 : i32
          %dma_start3A_94 = arith.constant 0 : i32
          %dma_start3A_95 = tpu.memref_slice %arg8[%run_scoped3A_64, %dma_start3A_93, %dma_start3A_94] : memref<2x128x128xf32, #tpu.memory_space<vmem>> -> memref<1x128x128xf32, #tpu.memory_space<vmem>>
          %dma_start3A_96 = tpu.memref_squeeze %dma_start3A_95 : memref<1x128x128xf32, #tpu.memory_space<vmem>> -> memref<128x128xf32, #tpu.memory_space<vmem>>
          %dma_start3A_97 = arith.constant 0 : i32
          %dma_start3A_98 = tpu.memref_slice %arg7[%add3A_53, %dma_start3A_97] : memref<40x128xi32, #tpu.memory_space<vmem>> -> memref<1x128xi32, #tpu.memory_space<vmem>>
          %dma_start3A_99 = tpu.memref_squeeze %dma_start3A_98 : memref<1x128xi32, #tpu.memory_space<vmem>> -> memref<128xi32, #tpu.memory_space<vmem>>
          %dma_start3A_100 = arith.constant 0 : i32
          %dma_start3A_101 = arith.constant 0 : i32
          %dma_start3A_102 = tpu.memref_slice %arg9[%dma_start3A_100, %dma_start3A_101] : memref<10112x128xf32, #tpu.memory_space<vmem_shared>> -> memref<10112x128xf32, #tpu.memory_space<vmem_shared>>
          tpu.enqueue_indirect_dma source(%dma_start3A_96 : memref<128x128xf32, #tpu.memory_space<vmem>>) target(%dma_start3A_102 : memref<10112x128xf32, #tpu.memory_space<vmem_shared>>) offsets(%dma_start3A_99 : memref<128xi32, #tpu.memory_space<vmem>>) semaphore(%run_scoped3A_92 : memref<!tpu.dma_semaphore, #tpu.memory_space<semaphore_mem>>) {add = true}
          %dma_wait3A_103 = arith.constant 0 : i32
          %dma_wait3A_104 = arith.constant 0 : i32
          %dma_wait3A_105 = tpu.memref_slice %arg8[%run_scoped3A_64, %dma_wait3A_103, %dma_wait3A_104] : memref<2x128x128xf32, #tpu.memory_space<vmem>> -> memref<1x128x128xf32, #tpu.memory_space<vmem>>
          %dma_wait3A_106 = tpu.memref_squeeze %dma_wait3A_105 : memref<1x128x128xf32, #tpu.memory_space<vmem>> -> memref<128x128xf32, #tpu.memory_space<vmem>>
          %dma_wait3A_107 = arith.constant 0 : i32
          %dma_wait3A_108 = tpu.memref_slice %arg7[%add3A_53, %dma_wait3A_107] : memref<40x128xi32, #tpu.memory_space<vmem>> -> memref<1x128xi32, #tpu.memory_space<vmem>>
          %dma_wait3A_109 = tpu.memref_squeeze %dma_wait3A_108 : memref<1x128xi32, #tpu.memory_space<vmem>> -> memref<128xi32, #tpu.memory_space<vmem>>
          %dma_wait3A_110 = arith.constant 0 : i32
          %dma_wait3A_111 = arith.constant 0 : i32
          %dma_wait3A_112 = tpu.memref_slice %arg9[%dma_wait3A_110, %dma_wait3A_111] : memref<10112x128xf32, #tpu.memory_space<vmem_shared>> -> memref<10112x128xf32, #tpu.memory_space<vmem_shared>>
          tpu.wait_indirect_dma semaphore(%run_scoped3A_92 : memref<!tpu.dma_semaphore, #tpu.memory_space<semaphore_mem>>) src(%dma_wait3A_106 : memref<128x128xf32, #tpu.memory_space<vmem>>) dst(%dma_wait3A_112 : memref<10112x128xf32, #tpu.memory_space<vmem_shared>>)
          tpu.yield
        }) : () -> ()
        %add3A_65 = arith.constant 2 : i32
        %add3A_66 = arith.addi %add3A_53, %add3A_65 : i32
        %lt3A = arith.constant 40 : i32
        %lt3A_67 = arith.cmpi slt, %add3A_66, %lt3A : i32
        %convert_element_type3A_68 = arith.extui %lt3A_67 : i1 to i32
        %cond3A_69 = arith.constant 0 : i32
        %cond3A_70 = arith.cmpi ne, %convert_element_type3A_68, %cond3A_69 : i32
        scf.if %cond3A_70 {
          %add3A_92 = arith.constant 2 : i32
          %add3A_93 = arith.addi %add3A_53, %add3A_92 : i32
          %dma_start3A_94 = arith.constant 0 : i32
          %dma_start3A_95 = arith.constant 0 : i32
          %dma_start3A_96 = arith.constant 0 : i32
          %dma_start3A_97 = tpu.memref_slice %arg8[%dma_start3A_94, %dma_start3A_95, %dma_start3A_96] : memref<2x128x128xf32, #tpu.memory_space<vmem>> -> memref<1x128x128xf32, #tpu.memory_space<vmem>>
          %dma_start3A_98 = tpu.memref_squeeze %dma_start3A_97 : memref<1x128x128xf32, #tpu.memory_space<vmem>> -> memref<128x128xf32, #tpu.memory_space<vmem>>
          %dma_start3A_99 = arith.constant 0 : i32
          %dma_start3A_100 = tpu.memref_slice %arg6[%add3A_93, %dma_start3A_99] : memref<40x128xi32, #tpu.memory_space<vmem>> -> memref<1x128xi32, #tpu.memory_space<vmem>>
          %dma_start3A_101 = tpu.memref_squeeze %dma_start3A_100 : memref<1x128xi32, #tpu.memory_space<vmem>> -> memref<128xi32, #tpu.memory_space<vmem>>
          %dma_start3A_102 = arith.constant 0 : i32
          %dma_start3A_103 = arith.constant 0 : i32
          %dma_start3A_104 = tpu.memref_slice %arg2[%dma_start3A_102, %dma_start3A_103] : memref<10112x128xf32, #tpu.memory_space<hbm>> -> memref<10112x128xf32, #tpu.memory_space<hbm>>
          tpu.enqueue_indirect_dma source(%dma_start3A_104 : memref<10112x128xf32, #tpu.memory_space<hbm>>) target(%dma_start3A_98 : memref<128x128xf32, #tpu.memory_space<vmem>>) offsets(%dma_start3A_101 : memref<128xi32, #tpu.memory_space<vmem>>) semaphore(%arg10 : memref<!tpu.dma_semaphore, #tpu.memory_space<semaphore_mem>>)
        } else {
        }
        %add3A_71 = arith.constant 1 : i32
        %add3A_72 = arith.addi %mul3A_51, %add3A_71 : i32
        %dma_wait3A_73 = arith.constant 1 : i32
        %dma_wait3A_74 = arith.constant 0 : i32
        %dma_wait3A_75 = arith.constant 0 : i32
        %dma_wait3A_76 = tpu.memref_slice %arg8[%dma_wait3A_73, %dma_wait3A_74, %dma_wait3A_75] : memref<2x128x128xf32, #tpu.memory_space<vmem>> -> memref<1x128x128xf32, #tpu.memory_space<vmem>>
        %dma_wait3A_77 = tpu.memref_squeeze %dma_wait3A_76 : memref<1x128x128xf32, #tpu.memory_space<vmem>> -> memref<128x128xf32, #tpu.memory_space<vmem>>
        %dma_wait3A_78 = arith.constant 0 : i32
        %dma_wait3A_79 = tpu.memref_slice %arg6[%add3A_72, %dma_wait3A_78] : memref<40x128xi32, #tpu.memory_space<vmem>> -> memref<1x128xi32, #tpu.memory_space<vmem>>
        %dma_wait3A_80 = tpu.memref_squeeze %dma_wait3A_79 : memref<1x128xi32, #tpu.memory_space<vmem>> -> memref<128xi32, #tpu.memory_space<vmem>>
        %dma_wait3A_81 = arith.constant 0 : i32
        %dma_wait3A_82 = arith.constant 0 : i32
        %dma_wait3A_83 = tpu.memref_slice %arg2[%dma_wait3A_81, %dma_wait3A_82] : memref<10112x128xf32, #tpu.memory_space<hbm>> -> memref<10112x128xf32, #tpu.memory_space<hbm>>
        tpu.wait_indirect_dma semaphore(%arg11 : memref<!tpu.dma_semaphore, #tpu.memory_space<semaphore_mem>>) src(%dma_wait3A_83 : memref<10112x128xf32, #tpu.memory_space<hbm>>) dst(%dma_wait3A_77 : memref<128x128xf32, #tpu.memory_space<vmem>>)
        %run_scoped3A_84 = arith.constant 1 : i32
        "tpu.region"() ({
          %run_scoped3A_92 = tpu.sem_alloc : memref<!tpu.dma_semaphore, #tpu.memory_space<semaphore_mem>>
          %dma_start3A_93 = arith.constant 0 : i32
          %dma_start3A_94 = arith.constant 0 : i32
          %dma_start3A_95 = tpu.memref_slice %arg8[%run_scoped3A_84, %dma_start3A_93, %dma_start3A_94] : memref<2x128x128xf32, #tpu.memory_space<vmem>> -> memref<1x128x128xf32, #tpu.memory_space<vmem>>
          %dma_start3A_96 = tpu.memref_squeeze %dma_start3A_95 : memref<1x128x128xf32, #tpu.memory_space<vmem>> -> memref<128x128xf32, #tpu.memory_space<vmem>>
          %dma_start3A_97 = arith.constant 0 : i32
          %dma_start3A_98 = tpu.memref_slice %arg7[%add3A_72, %dma_start3A_97] : memref<40x128xi32, #tpu.memory_space<vmem>> -> memref<1x128xi32, #tpu.memory_space<vmem>>
          %dma_start3A_99 = tpu.memref_squeeze %dma_start3A_98 : memref<1x128xi32, #tpu.memory_space<vmem>> -> memref<128xi32, #tpu.memory_space<vmem>>
          %dma_start3A_100 = arith.constant 0 : i32
          %dma_start3A_101 = arith.constant 0 : i32
          %dma_start3A_102 = tpu.memref_slice %arg9[%dma_start3A_100, %dma_start3A_101] : memref<10112x128xf32, #tpu.memory_space<vmem_shared>> -> memref<10112x128xf32, #tpu.memory_space<vmem_shared>>
          tpu.enqueue_indirect_dma source(%dma_start3A_96 : memref<128x128xf32, #tpu.memory_space<vmem>>) target(%dma_start3A_102 : memref<10112x128xf32, #tpu.memory_space<vmem_shared>>) offsets(%dma_start3A_99 : memref<128xi32, #tpu.memory_space<vmem>>) semaphore(%run_scoped3A_92 : memref<!tpu.dma_semaphore, #tpu.memory_space<semaphore_mem>>) {add = true}
          %dma_wait3A_103 = arith.constant 0 : i32
          %dma_wait3A_104 = arith.constant 0 : i32
          %dma_wait3A_105 = tpu.memref_slice %arg8[%run_scoped3A_84, %dma_wait3A_103, %dma_wait3A_104] : memref<2x128x128xf32, #tpu.memory_space<vmem>> -> memref<1x128x128xf32, #tpu.memory_space<vmem>>
          %dma_wait3A_106 = tpu.memref_squeeze %dma_wait3A_105 : memref<1x128x128xf32, #tpu.memory_space<vmem>> -> memref<128x128xf32, #tpu.memory_space<vmem>>
          %dma_wait3A_107 = arith.constant 0 : i32
          %dma_wait3A_108 = tpu.memref_slice %arg7[%add3A_72, %dma_wait3A_107] : memref<40x128xi32, #tpu.memory_space<vmem>> -> memref<1x128xi32, #tpu.memory_space<vmem>>
          %dma_wait3A_109 = tpu.memref_squeeze %dma_wait3A_108 : memref<1x128xi32, #tpu.memory_space<vmem>> -> memref<128xi32, #tpu.memory_space<vmem>>
          %dma_wait3A_110 = arith.constant 0 : i32
          %dma_wait3A_111 = arith.constant 0 : i32
          %dma_wait3A_112 = tpu.memref_slice %arg9[%dma_wait3A_110, %dma_wait3A_111] : memref<10112x128xf32, #tpu.memory_space<vmem_shared>> -> memref<10112x128xf32, #tpu.memory_space<vmem_shared>>
          tpu.wait_indirect_dma semaphore(%run_scoped3A_92 : memref<!tpu.dma_semaphore, #tpu.memory_space<semaphore_mem>>) src(%dma_wait3A_106 : memref<128x128xf32, #tpu.memory_space<vmem>>) dst(%dma_wait3A_112 : memref<10112x128xf32, #tpu.memory_space<vmem_shared>>)
          tpu.yield
        }) : () -> ()
        %add3A_85 = arith.constant 2 : i32
        %add3A_86 = arith.addi %add3A_72, %add3A_85 : i32
        %lt3A_87 = arith.constant 40 : i32
        %lt3A_88 = arith.cmpi slt, %add3A_86, %lt3A_87 : i32
        %convert_element_type3A_89 = arith.extui %lt3A_88 : i1 to i32
        %cond3A_90 = arith.constant 0 : i32
        %cond3A_91 = arith.cmpi ne, %convert_element_type3A_89, %cond3A_90 : i32
        scf.if %cond3A_91 {
          %add3A_92 = arith.constant 2 : i32
          %add3A_93 = arith.addi %add3A_72, %add3A_92 : i32
          %dma_start3A_94 = arith.constant 1 : i32
          %dma_start3A_95 = arith.constant 0 : i32
          %dma_start3A_96 = arith.constant 0 : i32
          %dma_start3A_97 = tpu.memref_slice %arg8[%dma_start3A_94, %dma_start3A_95, %dma_start3A_96] : memref<2x128x128xf32, #tpu.memory_space<vmem>> -> memref<1x128x128xf32, #tpu.memory_space<vmem>>
          %dma_start3A_98 = tpu.memref_squeeze %dma_start3A_97 : memref<1x128x128xf32, #tpu.memory_space<vmem>> -> memref<128x128xf32, #tpu.memory_space<vmem>>
          %dma_start3A_99 = arith.constant 0 : i32
          %dma_start3A_100 = tpu.memref_slice %arg6[%add3A_93, %dma_start3A_99] : memref<40x128xi32, #tpu.memory_space<vmem>> -> memref<1x128xi32, #tpu.memory_space<vmem>>
          %dma_start3A_101 = tpu.memref_squeeze %dma_start3A_100 : memref<1x128xi32, #tpu.memory_space<vmem>> -> memref<128xi32, #tpu.memory_space<vmem>>
          %dma_start3A_102 = arith.constant 0 : i32
          %dma_start3A_103 = arith.constant 0 : i32
          %dma_start3A_104 = tpu.memref_slice %arg2[%dma_start3A_102, %dma_start3A_103] : memref<10112x128xf32, #tpu.memory_space<hbm>> -> memref<10112x128xf32, #tpu.memory_space<hbm>>
          tpu.enqueue_indirect_dma source(%dma_start3A_104 : memref<10112x128xf32, #tpu.memory_space<hbm>>) target(%dma_start3A_98 : memref<128x128xf32, #tpu.memory_space<vmem>>) offsets(%dma_start3A_101 : memref<128xi32, #tpu.memory_space<vmem>>) semaphore(%arg11 : memref<!tpu.dma_semaphore, #tpu.memory_space<semaphore_mem>>)
        } else {
        }
      }
      %scan3A_48 = arith.constant 20 : i32
    }
    %scan3A_13 = arith.constant 2 : i32
    %barrier3A_14 = arith.constant 0 : index
    tpu.barrier barrier_id(%barrier3A_14)
    "tpu.region"() ({
      %run_scoped3A = tpu.sem_alloc : memref<!tpu.dma_semaphore, #tpu.memory_space<semaphore_mem>>
      %dma_start3A = arith.constant 0 : i32
      %dma_start3A_15 = tpu.memref_slice %arg5[%arg0, %mul3A_2, %dma_start3A] : memref<2x10112x128xf32, #tpu.memory_space<hbm>> -> memref<1x632x128xf32, #tpu.memory_space<hbm>>
      %dma_start3A_16 = tpu.memref_squeeze %dma_start3A_15 : memref<1x632x128xf32, #tpu.memory_space<hbm>> -> memref<632x128xf32, #tpu.memory_space<hbm>>
      %dma_start3A_17 = arith.constant 0 : i32
      %dma_start3A_18 = tpu.memref_slice %arg9[%mul3A_2, %dma_start3A_17] : memref<10112x128xf32, #tpu.memory_space<vmem_shared>> -> memref<632x128xf32, #tpu.memory_space<vmem_shared>>
      tpu.enqueue_dma source(%dma_start3A_18 : memref<632x128xf32, #tpu.memory_space<vmem_shared>>) target(%dma_start3A_16 : memref<632x128xf32, #tpu.memory_space<hbm>>) target_semaphore(%run_scoped3A : memref<!tpu.dma_semaphore, #tpu.memory_space<semaphore_mem>>)
      %dma_wait3A = arith.constant 0 : i32
      %dma_wait3A_19 = tpu.memref_slice %arg5[%arg0, %mul3A_2, %dma_wait3A] : memref<2x10112x128xf32, #tpu.memory_space<hbm>> -> memref<1x632x128xf32, #tpu.memory_space<hbm>>
      %dma_wait3A_20 = tpu.memref_squeeze %dma_wait3A_19 : memref<1x632x128xf32, #tpu.memory_space<hbm>> -> memref<632x128xf32, #tpu.memory_space<hbm>>
      %dma_wait3A_21 = arith.constant 0 : i32
      %dma_wait3A_22 = tpu.memref_slice %arg9[%mul3A_2, %dma_wait3A_21] : memref<10112x128xf32, #tpu.memory_space<vmem_shared>> -> memref<632x128xf32, #tpu.memory_space<vmem_shared>>
      tpu.wait_dma2 semaphore(%run_scoped3A : memref<!tpu.dma_semaphore, #tpu.memory_space<semaphore_mem>>) src(%dma_wait3A_22 : memref<632x128xf32, #tpu.memory_space<vmem_shared>>) dst(%dma_wait3A_20 : memref<632x128xf32, #tpu.memory_space<hbm>>)
      tpu.yield
    }) : () -> ()
    return
  }
}

#map = affine_map<(d0, d1) -> (0, 0)>
#map1 = affine_map<(d0, d1) -> (0, 0, 0, 0)>
#map2 = affine_map<(d0, d1) -> (0, 0, 0)>
module attributes {stable_mosaic.version = 14 : i64} {
  func.func @body(%arg0: i32, %arg1: i32, %arg2: memref<10112x128xf32, #tpu.memory_space<hbm>>, %arg3: memref<2x32x80x128xi32, #tpu.memory_space<hbm>>, %arg4: memref<10112x128xf32, #tpu.memory_space<hbm>>, %arg5: memref<2x10112x128xf32, #tpu.memory_space<hbm>>, %arg6: memref<40x128xi32, #tpu.memory_space<vmem>>, %arg7: memref<40x128xi32, #tpu.memory_space<vmem>>, %arg8: memref<2x128x128xf32, #tpu.memory_space<vmem>>, %arg9: memref<10112x128xf32, #tpu.memory_space<vmem_shared>>, %arg10: memref<!tpu.dma_semaphore, #tpu.memory_space<semaphore_mem>>, %arg11: memref<!tpu.dma_semaphore, #tpu.memory_space<semaphore_mem>>) attributes {dimension_semantics = [#tpu.dimension_semantics<core_parallel>, #tpu.dimension_semantics<subcore_parallel>], iteration_bounds = array<i64: 2, 16>, scalar_prefetch = 0 : i64, scratch_operands = 6 : i64, tpu.core_type = #tpu.core_type<sc_vector_subcore>, window_params = [{transform_indices = #map}, {transform_indices = #map1}, {transform_indices = #map}, {transform_indices = #map2}]} {
    %mul3A = arith.constant 16 : i32
    %mul3A_0 = arith.muli %arg0, %mul3A : i32
    %add3A = arith.addi %mul3A_0, %arg1 : i32
    %mul3A_1 = arith.constant 632 : i32
    %mul3A_2 = arith.muli %arg1, %mul3A_1 : i32
    %eq3A = arith.constant 0 : i32
    %eq3A_3 = arith.cmpi eq, %arg0, %eq3A : i32
    %convert_element_type3A = arith.extui %eq3A_3 : i1 to i32
    %cond3A = arith.constant 0 : i32
    %cond3A_4 = arith.cmpi ne, %convert_element_type3A, %cond3A : i32
    scf.if %cond3A_4 {
      "tpu.region"() ({
        %run_scoped3A = tpu.sem_alloc : memref<!tpu.dma_semaphore, #tpu.memory_space<semaphore_mem>>
        %dma_start3A = arith.constant 0 : i32
        %dma_start3A_15 = tpu.memref_slice %arg9[%mul3A_2, %dma_start3A] : memref<10112x128xf32, #tpu.memory_space<vmem_shared>> -> memref<632x128xf32, #tpu.memory_space<vmem_shared>>
        %dma_start3A_16 = arith.constant 0 : i32
        %dma_start3A_17 = tpu.memref_slice %arg2[%mul3A_2, %dma_start3A_16] : memref<10112x128xf32, #tpu.memory_space<hbm>> -> memref<632x128xf32, #tpu.memory_space<hbm>>
        tpu.enqueue_dma source(%dma_start3A_17 : memref<632x128xf32, #tpu.memory_space<hbm>>) target(%dma_start3A_15 : memref<632x128xf32, #tpu.memory_space<vmem_shared>>) target_semaphore(%run_scoped3A : memref<!tpu.dma_semaphore, #tpu.memory_space<semaphore_mem>>)
        %dma_wait3A = arith.constant 0 : i32
        %dma_wait3A_18 = tpu.memref_slice %arg9[%mul3A_2, %dma_wait3A] : memref<10112x128xf32, #tpu.memory_space<vmem_shared>> -> memref<632x128xf32, #tpu.memory_space<vmem_shared>>
        %dma_wait3A_19 = arith.constant 0 : i32
        %dma_wait3A_20 = tpu.memref_slice %arg2[%mul3A_2, %dma_wait3A_19] : memref<10112x128xf32, #tpu.memory_space<hbm>> -> memref<632x128xf32, #tpu.memory_space<hbm>>
        tpu.wait_dma2 semaphore(%run_scoped3A : memref<!tpu.dma_semaphore, #tpu.memory_space<semaphore_mem>>) src(%dma_wait3A_20 : memref<632x128xf32, #tpu.memory_space<hbm>>) dst(%dma_wait3A_18 : memref<632x128xf32, #tpu.memory_space<vmem_shared>>)
        tpu.yield
      }) : () -> ()
    } else {
    }
    %ne3A = arith.constant 0 : i32
    %ne3A_5 = arith.cmpi ne, %arg0, %ne3A : i32
    %convert_element_type3A_6 = arith.extui %ne3A_5 : i1 to i32
    %cond3A_7 = arith.constant 0 : i32
    %cond3A_8 = arith.cmpi ne, %convert_element_type3A_6, %cond3A_7 : i32
    scf.if %cond3A_8 {
      "tpu.region"() ({
        %run_scoped3A = tpu.sem_alloc : memref<!tpu.dma_semaphore, #tpu.memory_space<semaphore_mem>>
        %dma_start3A = arith.constant 0 : i32
        %dma_start3A_15 = tpu.memref_slice %arg9[%mul3A_2, %dma_start3A] : memref<10112x128xf32, #tpu.memory_space<vmem_shared>> -> memref<632x128xf32, #tpu.memory_space<vmem_shared>>
        %dma_start3A_16 = arith.constant 0 : i32
        %dma_start3A_17 = tpu.memref_slice %arg4[%mul3A_2, %dma_start3A_16] : memref<10112x128xf32, #tpu.memory_space<hbm>> -> memref<632x128xf32, #tpu.memory_space<hbm>>
        tpu.enqueue_dma source(%dma_start3A_17 : memref<632x128xf32, #tpu.memory_space<hbm>>) target(%dma_start3A_15 : memref<632x128xf32, #tpu.memory_space<vmem_shared>>) target_semaphore(%run_scoped3A : memref<!tpu.dma_semaphore, #tpu.memory_space<semaphore_mem>>)
        %dma_wait3A = arith.constant 0 : i32
        %dma_wait3A_18 = tpu.memref_slice %arg9[%mul3A_2, %dma_wait3A] : memref<10112x128xf32, #tpu.memory_space<vmem_shared>> -> memref<632x128xf32, #tpu.memory_space<vmem_shared>>
        %dma_wait3A_19 = arith.constant 0 : i32
        %dma_wait3A_20 = tpu.memref_slice %arg4[%mul3A_2, %dma_wait3A_19] : memref<10112x128xf32, #tpu.memory_space<hbm>> -> memref<632x128xf32, #tpu.memory_space<hbm>>
        tpu.wait_dma2 semaphore(%run_scoped3A : memref<!tpu.dma_semaphore, #tpu.memory_space<semaphore_mem>>) src(%dma_wait3A_20 : memref<632x128xf32, #tpu.memory_space<hbm>>) dst(%dma_wait3A_18 : memref<632x128xf32, #tpu.memory_space<vmem_shared>>)
        tpu.yield
      }) : () -> ()
    } else {
    }
    %barrier3A = arith.constant 0 : index
    tpu.barrier barrier_id(%barrier3A)
    %scan3A = arith.constant 0 : i32
    %scan3A_9 = arith.constant 0 : i32
    %scan3A_10 = arith.constant 2 : i32
    %scan3A_11 = arith.addi %scan3A_9, %scan3A_10 : i32
    %scan3A_12 = arith.constant 1 : i32
    scf.for %scan3A_15 = %scan3A_9 to %scan3A_11 step %scan3A_12  : i32 {
      %mul3A_16 = arith.constant 40 : i32
      %mul3A_17 = arith.muli %scan3A_15, %mul3A_16 : i32
      %run_scoped3A = arith.constant 0 : i32
      "tpu.region"() ({
        %run_scoped3A_49 = tpu.sem_alloc : memref<!tpu.dma_semaphore, #tpu.memory_space<semaphore_mem>>
        %dma_start3A_50 = arith.constant 0 : i32
        %dma_start3A_51 = tpu.memref_slice %arg3[%run_scoped3A, %add3A, %mul3A_17, %dma_start3A_50] : memref<2x32x80x128xi32, #tpu.memory_space<hbm>> -> memref<1x1x40x128xi32, #tpu.memory_space<hbm>>
        %dma_start3A_52 = tpu.memref_squeeze %dma_start3A_51 : memref<1x1x40x128xi32, #tpu.memory_space<hbm>> -> memref<40x128xi32, #tpu.memory_space<hbm>>
        %dma_start3A_53 = arith.constant 0 : i32
        %dma_start3A_54 = tpu.memref_slice %arg3[%run_scoped3A, %add3A, %mul3A_17, %dma_start3A_53] : memref<2x32x80x128xi32, #tpu.memory_space<hbm>> -> memref<1x1x40x128xi32, #tpu.memory_space<hbm>>
        %dma_start3A_55 = tpu.memref_squeeze %dma_start3A_54 : memref<1x1x40x128xi32, #tpu.memory_space<hbm>> -> memref<40x128xi32, #tpu.memory_space<hbm>>
        tpu.enqueue_dma source(%dma_start3A_55 : memref<40x128xi32, #tpu.memory_space<hbm>>) target(%arg6 : memref<40x128xi32, #tpu.memory_space<vmem>>) target_semaphore(%run_scoped3A_49 : memref<!tpu.dma_semaphore, #tpu.memory_space<semaphore_mem>>)
        %dma_wait3A = arith.constant 0 : i32
        %dma_wait3A_56 = tpu.memref_slice %arg3[%run_scoped3A, %add3A, %mul3A_17, %dma_wait3A] : memref<2x32x80x128xi32, #tpu.memory_space<hbm>> -> memref<1x1x40x128xi32, #tpu.memory_space<hbm>>
        %dma_wait3A_57 = tpu.memref_squeeze %dma_wait3A_56 : memref<1x1x40x128xi32, #tpu.memory_space<hbm>> -> memref<40x128xi32, #tpu.memory_space<hbm>>
        %dma_wait3A_58 = arith.constant 0 : i32
        %dma_wait3A_59 = tpu.memref_slice %arg3[%run_scoped3A, %add3A, %mul3A_17, %dma_wait3A_58] : memref<2x32x80x128xi32, #tpu.memory_space<hbm>> -> memref<1x1x40x128xi32, #tpu.memory_space<hbm>>
        %dma_wait3A_60 = tpu.memref_squeeze %dma_wait3A_59 : memref<1x1x40x128xi32, #tpu.memory_space<hbm>> -> memref<40x128xi32, #tpu.memory_space<hbm>>
        tpu.wait_dma2 semaphore(%run_scoped3A_49 : memref<!tpu.dma_semaphore, #tpu.memory_space<semaphore_mem>>) src(%dma_wait3A_60 : memref<40x128xi32, #tpu.memory_space<hbm>>) dst(%arg6 : memref<40x128xi32, #tpu.memory_space<vmem>>)
        tpu.yield
      }) : () -> ()
      %mul3A_18 = arith.constant 40 : i32
      %mul3A_19 = arith.muli %scan3A_15, %mul3A_18 : i32
      %run_scoped3A_20 = arith.constant 1 : i32
      "tpu.region"() ({
        %run_scoped3A_49 = tpu.sem_alloc : memref<!tpu.dma_semaphore, #tpu.memory_space<semaphore_mem>>
        %dma_start3A_50 = arith.constant 0 : i32
        %dma_start3A_51 = tpu.memref_slice %arg3[%run_scoped3A_20, %add3A, %mul3A_19, %dma_start3A_50] : memref<2x32x80x128xi32, #tpu.memory_space<hbm>> -> memref<1x1x40x128xi32, #tpu.memory_space<hbm>>
        %dma_start3A_52 = tpu.memref_squeeze %dma_start3A_51 : memref<1x1x40x128xi32, #tpu.memory_space<hbm>> -> memref<40x128xi32, #tpu.memory_space<hbm>>
        %dma_start3A_53 = arith.constant 0 : i32
        %dma_start3A_54 = tpu.memref_slice %arg3[%run_scoped3A_20, %add3A, %mul3A_19, %dma_start3A_53] : memref<2x32x80x128xi32, #tpu.memory_space<hbm>> -> memref<1x1x40x128xi32, #tpu.memory_space<hbm>>
        %dma_start3A_55 = tpu.memref_squeeze %dma_start3A_54 : memref<1x1x40x128xi32, #tpu.memory_space<hbm>> -> memref<40x128xi32, #tpu.memory_space<hbm>>
        tpu.enqueue_dma source(%dma_start3A_55 : memref<40x128xi32, #tpu.memory_space<hbm>>) target(%arg7 : memref<40x128xi32, #tpu.memory_space<vmem>>) target_semaphore(%run_scoped3A_49 : memref<!tpu.dma_semaphore, #tpu.memory_space<semaphore_mem>>)
        %dma_wait3A = arith.constant 0 : i32
        %dma_wait3A_56 = tpu.memref_slice %arg3[%run_scoped3A_20, %add3A, %mul3A_19, %dma_wait3A] : memref<2x32x80x128xi32, #tpu.memory_space<hbm>> -> memref<1x1x40x128xi32, #tpu.memory_space<hbm>>
        %dma_wait3A_57 = tpu.memref_squeeze %dma_wait3A_56 : memref<1x1x40x128xi32, #tpu.memory_space<hbm>> -> memref<40x128xi32, #tpu.memory_space<hbm>>
        %dma_wait3A_58 = arith.constant 0 : i32
        %dma_wait3A_59 = tpu.memref_slice %arg3[%run_scoped3A_20, %add3A, %mul3A_19, %dma_wait3A_58] : memref<2x32x80x128xi32, #tpu.memory_space<hbm>> -> memref<1x1x40x128xi32, #tpu.memory_space<hbm>>
        %dma_wait3A_60 = tpu.memref_squeeze %dma_wait3A_59 : memref<1x1x40x128xi32, #tpu.memory_space<hbm>> -> memref<40x128xi32, #tpu.memory_space<hbm>>
        tpu.wait_dma2 semaphore(%run_scoped3A_49 : memref<!tpu.dma_semaphore, #tpu.memory_space<semaphore_mem>>) src(%dma_wait3A_60 : memref<40x128xi32, #tpu.memory_space<hbm>>) dst(%arg7 : memref<40x128xi32, #tpu.memory_space<vmem>>)
        tpu.yield
      }) : () -> ()
      %dma_start3A = arith.constant 0 : i32
      %dma_start3A_21 = arith.constant 0 : i32
      %dma_start3A_22 = arith.constant 0 : i32
      %dma_start3A_23 = arith.constant 0 : i32
      %dma_start3A_24 = tpu.memref_slice %arg8[%dma_start3A_21, %dma_start3A_22, %dma_start3A_23] : memref<2x128x128xf32, #tpu.memory_space<vmem>> -> memref<1x128x128xf32, #tpu.memory_space<vmem>>
      %dma_start3A_25 = tpu.memref_squeeze %dma_start3A_24 : memref<1x128x128xf32, #tpu.memory_space<vmem>> -> memref<128x128xf32, #tpu.memory_space<vmem>>
      %dma_start3A_26 = arith.constant 0 : i32
      %dma_start3A_27 = tpu.memref_slice %arg6[%dma_start3A, %dma_start3A_26] : memref<40x128xi32, #tpu.memory_space<vmem>> -> memref<1x128xi32, #tpu.memory_space<vmem>>
      %dma_start3A_28 = tpu.memref_squeeze %dma_start3A_27 : memref<1x128xi32, #tpu.memory_space<vmem>> -> memref<128xi32, #tpu.memory_space<vmem>>
      %dma_start3A_29 = arith.constant 0 : i32
      %dma_start3A_30 = arith.constant 0 : i32
      %dma_start3A_31 = tpu.memref_slice %arg2[%dma_start3A_29, %dma_start3A_30] : memref<10112x128xf32, #tpu.memory_space<hbm>> -> memref<10112x128xf32, #tpu.memory_space<hbm>>
      tpu.enqueue_indirect_dma source(%dma_start3A_31 : memref<10112x128xf32, #tpu.memory_space<hbm>>) target(%dma_start3A_25 : memref<128x128xf32, #tpu.memory_space<vmem>>) offsets(%dma_start3A_28 : memref<128xi32, #tpu.memory_space<vmem>>) semaphore(%arg10 : memref<!tpu.dma_semaphore, #tpu.memory_space<semaphore_mem>>)
      %dma_start3A_32 = arith.constant 1 : i32
      %dma_start3A_33 = arith.constant 1 : i32
      %dma_start3A_34 = arith.constant 0 : i32
      %dma_start3A_35 = arith.constant 0 : i32
      %dma_start3A_36 = tpu.memref_slice %arg8[%dma_start3A_33, %dma_start3A_34, %dma_start3A_35] : memref<2x128x128xf32, #tpu.memory_space<vmem>> -> memref<1x128x128xf32, #tpu.memory_space<vmem>>
      %dma_start3A_37 = tpu.memref_squeeze %dma_start3A_36 : memref<1x128x128xf32, #tpu.memory_space<vmem>> -> memref<128x128xf32, #tpu.memory_space<vmem>>
      %dma_start3A_38 = arith.constant 0 : i32
      %dma_start3A_39 = tpu.memref_slice %arg6[%dma_start3A_32, %dma_start3A_38] : memref<40x128xi32, #tpu.memory_space<vmem>> -> memref<1x128xi32, #tpu.memory_space<vmem>>
      %dma_start3A_40 = tpu.memref_squeeze %dma_start3A_39 : memref<1x128xi32, #tpu.memory_space<vmem>> -> memref<128xi32, #tpu.memory_space<vmem>>
      %dma_start3A_41 = arith.constant 0 : i32
      %dma_start3A_42 = arith.constant 0 : i32
      %dma_start3A_43 = tpu.memref_slice %arg2[%dma_start3A_41, %dma_start3A_42] : memref<10112x128xf32, #tpu.memory_space<hbm>> -> memref<10112x128xf32, #tpu.memory_space<hbm>>
      tpu.enqueue_indirect_dma source(%dma_start3A_43 : memref<10112x128xf32, #tpu.memory_space<hbm>>) target(%dma_start3A_37 : memref<128x128xf32, #tpu.memory_space<vmem>>) offsets(%dma_start3A_40 : memref<128xi32, #tpu.memory_space<vmem>>) semaphore(%arg11 : memref<!tpu.dma_semaphore, #tpu.memory_space<semaphore_mem>>)
      %scan3A_44 = arith.constant 0 : i32
      %scan3A_45 = arith.constant 20 : i32
      %scan3A_46 = arith.addi %scan3A_44, %scan3A_45 : i32
      %scan3A_47 = arith.constant 1 : i32
      scf.for %scan3A_49 = %scan3A_44 to %scan3A_46 step %scan3A_47  : i32 {
        %mul3A_50 = arith.constant 2 : i32
        %mul3A_51 = arith.muli %scan3A_49, %mul3A_50 : i32
        %add3A_52 = arith.constant 0 : i32
        %add3A_53 = arith.addi %mul3A_51, %add3A_52 : i32
        %dma_wait3A = arith.constant 0 : i32
        %dma_wait3A_54 = arith.constant 0 : i32
        %dma_wait3A_55 = arith.constant 0 : i32
        %dma_wait3A_56 = tpu.memref_slice %arg8[%dma_wait3A, %dma_wait3A_54, %dma_wait3A_55] : memref<2x128x128xf32, #tpu.memory_space<vmem>> -> memref<1x128x128xf32, #tpu.memory_space<vmem>>
        %dma_wait3A_57 = tpu.memref_squeeze %dma_wait3A_56 : memref<1x128x128xf32, #tpu.memory_space<vmem>> -> memref<128x128xf32, #tpu.memory_space<vmem>>
        %dma_wait3A_58 = arith.constant 0 : i32
        %dma_wait3A_59 = tpu.memref_slice %arg6[%add3A_53, %dma_wait3A_58] : memref<40x128xi32, #tpu.memory_space<vmem>> -> memref<1x128xi32, #tpu.memory_space<vmem>>
        %dma_wait3A_60 = tpu.memref_squeeze %dma_wait3A_59 : memref<1x128xi32, #tpu.memory_space<vmem>> -> memref<128xi32, #tpu.memory_space<vmem>>
        %dma_wait3A_61 = arith.constant 0 : i32
        %dma_wait3A_62 = arith.constant 0 : i32
        %dma_wait3A_63 = tpu.memref_slice %arg2[%dma_wait3A_61, %dma_wait3A_62] : memref<10112x128xf32, #tpu.memory_space<hbm>> -> memref<10112x128xf32, #tpu.memory_space<hbm>>
        tpu.wait_indirect_dma semaphore(%arg10 : memref<!tpu.dma_semaphore, #tpu.memory_space<semaphore_mem>>) src(%dma_wait3A_63 : memref<10112x128xf32, #tpu.memory_space<hbm>>) dst(%dma_wait3A_57 : memref<128x128xf32, #tpu.memory_space<vmem>>)
        %run_scoped3A_64 = arith.constant 0 : i32
        "tpu.region"() ({
          %run_scoped3A_92 = tpu.sem_alloc : memref<!tpu.dma_semaphore, #tpu.memory_space<semaphore_mem>>
          %dma_start3A_93 = arith.constant 0 : i32
          %dma_start3A_94 = arith.constant 0 : i32
          %dma_start3A_95 = tpu.memref_slice %arg8[%run_scoped3A_64, %dma_start3A_93, %dma_start3A_94] : memref<2x128x128xf32, #tpu.memory_space<vmem>> -> memref<1x128x128xf32, #tpu.memory_space<vmem>>
          %dma_start3A_96 = tpu.memref_squeeze %dma_start3A_95 : memref<1x128x128xf32, #tpu.memory_space<vmem>> -> memref<128x128xf32, #tpu.memory_space<vmem>>
          %dma_start3A_97 = arith.constant 0 : i32
          %dma_start3A_98 = tpu.memref_slice %arg7[%add3A_53, %dma_start3A_97] : memref<40x128xi32, #tpu.memory_space<vmem>> -> memref<1x128xi32, #tpu.memory_space<vmem>>
          %dma_start3A_99 = tpu.memref_squeeze %dma_start3A_98 : memref<1x128xi32, #tpu.memory_space<vmem>> -> memref<128xi32, #tpu.memory_space<vmem>>
          %dma_start3A_100 = arith.constant 0 : i32
          %dma_start3A_101 = arith.constant 0 : i32
          %dma_start3A_102 = tpu.memref_slice %arg9[%dma_start3A_100, %dma_start3A_101] : memref<10112x128xf32, #tpu.memory_space<vmem_shared>> -> memref<10112x128xf32, #tpu.memory_space<vmem_shared>>
          tpu.enqueue_indirect_dma source(%dma_start3A_96 : memref<128x128xf32, #tpu.memory_space<vmem>>) target(%dma_start3A_102 : memref<10112x128xf32, #tpu.memory_space<vmem_shared>>) offsets(%dma_start3A_99 : memref<128xi32, #tpu.memory_space<vmem>>) semaphore(%run_scoped3A_92 : memref<!tpu.dma_semaphore, #tpu.memory_space<semaphore_mem>>) {add = true}
          %dma_wait3A_103 = arith.constant 0 : i32
          %dma_wait3A_104 = arith.constant 0 : i32
          %dma_wait3A_105 = tpu.memref_slice %arg8[%run_scoped3A_64, %dma_wait3A_103, %dma_wait3A_104] : memref<2x128x128xf32, #tpu.memory_space<vmem>> -> memref<1x128x128xf32, #tpu.memory_space<vmem>>
          %dma_wait3A_106 = tpu.memref_squeeze %dma_wait3A_105 : memref<1x128x128xf32, #tpu.memory_space<vmem>> -> memref<128x128xf32, #tpu.memory_space<vmem>>
          %dma_wait3A_107 = arith.constant 0 : i32
          %dma_wait3A_108 = tpu.memref_slice %arg7[%add3A_53, %dma_wait3A_107] : memref<40x128xi32, #tpu.memory_space<vmem>> -> memref<1x128xi32, #tpu.memory_space<vmem>>
          %dma_wait3A_109 = tpu.memref_squeeze %dma_wait3A_108 : memref<1x128xi32, #tpu.memory_space<vmem>> -> memref<128xi32, #tpu.memory_space<vmem>>
          %dma_wait3A_110 = arith.constant 0 : i32
          %dma_wait3A_111 = arith.constant 0 : i32
          %dma_wait3A_112 = tpu.memref_slice %arg9[%dma_wait3A_110, %dma_wait3A_111] : memref<10112x128xf32, #tpu.memory_space<vmem_shared>> -> memref<10112x128xf32, #tpu.memory_space<vmem_shared>>
          tpu.wait_indirect_dma semaphore(%run_scoped3A_92 : memref<!tpu.dma_semaphore, #tpu.memory_space<semaphore_mem>>) src(%dma_wait3A_106 : memref<128x128xf32, #tpu.memory_space<vmem>>) dst(%dma_wait3A_112 : memref<10112x128xf32, #tpu.memory_space<vmem_shared>>)
          tpu.yield
        }) : () -> ()
        %add3A_65 = arith.constant 2 : i32
        %add3A_66 = arith.addi %add3A_53, %add3A_65 : i32
        %lt3A = arith.constant 40 : i32
        %lt3A_67 = arith.cmpi slt, %add3A_66, %lt3A : i32
        %convert_element_type3A_68 = arith.extui %lt3A_67 : i1 to i32
        %cond3A_69 = arith.constant 0 : i32
        %cond3A_70 = arith.cmpi ne, %convert_element_type3A_68, %cond3A_69 : i32
        scf.if %cond3A_70 {
          %add3A_92 = arith.constant 2 : i32
          %add3A_93 = arith.addi %add3A_53, %add3A_92 : i32
          %dma_start3A_94 = arith.constant 0 : i32
          %dma_start3A_95 = arith.constant 0 : i32
          %dma_start3A_96 = arith.constant 0 : i32
          %dma_start3A_97 = tpu.memref_slice %arg8[%dma_start3A_94, %dma_start3A_95, %dma_start3A_96] : memref<2x128x128xf32, #tpu.memory_space<vmem>> -> memref<1x128x128xf32, #tpu.memory_space<vmem>>
          %dma_start3A_98 = tpu.memref_squeeze %dma_start3A_97 : memref<1x128x128xf32, #tpu.memory_space<vmem>> -> memref<128x128xf32, #tpu.memory_space<vmem>>
          %dma_start3A_99 = arith.constant 0 : i32
          %dma_start3A_100 = tpu.memref_slice %arg6[%add3A_93, %dma_start3A_99] : memref<40x128xi32, #tpu.memory_space<vmem>> -> memref<1x128xi32, #tpu.memory_space<vmem>>
          %dma_start3A_101 = tpu.memref_squeeze %dma_start3A_100 : memref<1x128xi32, #tpu.memory_space<vmem>> -> memref<128xi32, #tpu.memory_space<vmem>>
          %dma_start3A_102 = arith.constant 0 : i32
          %dma_start3A_103 = arith.constant 0 : i32
          %dma_start3A_104 = tpu.memref_slice %arg2[%dma_start3A_102, %dma_start3A_103] : memref<10112x128xf32, #tpu.memory_space<hbm>> -> memref<10112x128xf32, #tpu.memory_space<hbm>>
          tpu.enqueue_indirect_dma source(%dma_start3A_104 : memref<10112x128xf32, #tpu.memory_space<hbm>>) target(%dma_start3A_98 : memref<128x128xf32, #tpu.memory_space<vmem>>) offsets(%dma_start3A_101 : memref<128xi32, #tpu.memory_space<vmem>>) semaphore(%arg10 : memref<!tpu.dma_semaphore, #tpu.memory_space<semaphore_mem>>)
        } else {
        }
        %add3A_71 = arith.constant 1 : i32
        %add3A_72 = arith.addi %mul3A_51, %add3A_71 : i32
        %dma_wait3A_73 = arith.constant 1 : i32
        %dma_wait3A_74 = arith.constant 0 : i32
        %dma_wait3A_75 = arith.constant 0 : i32
        %dma_wait3A_76 = tpu.memref_slice %arg8[%dma_wait3A_73, %dma_wait3A_74, %dma_wait3A_75] : memref<2x128x128xf32, #tpu.memory_space<vmem>> -> memref<1x128x128xf32, #tpu.memory_space<vmem>>
        %dma_wait3A_77 = tpu.memref_squeeze %dma_wait3A_76 : memref<1x128x128xf32, #tpu.memory_space<vmem>> -> memref<128x128xf32, #tpu.memory_space<vmem>>
        %dma_wait3A_78 = arith.constant 0 : i32
        %dma_wait3A_79 = tpu.memref_slice %arg6[%add3A_72, %dma_wait3A_78] : memref<40x128xi32, #tpu.memory_space<vmem>> -> memref<1x128xi32, #tpu.memory_space<vmem>>
        %dma_wait3A_80 = tpu.memref_squeeze %dma_wait3A_79 : memref<1x128xi32, #tpu.memory_space<vmem>> -> memref<128xi32, #tpu.memory_space<vmem>>
        %dma_wait3A_81 = arith.constant 0 : i32
        %dma_wait3A_82 = arith.constant 0 : i32
        %dma_wait3A_83 = tpu.memref_slice %arg2[%dma_wait3A_81, %dma_wait3A_82] : memref<10112x128xf32, #tpu.memory_space<hbm>> -> memref<10112x128xf32, #tpu.memory_space<hbm>>
        tpu.wait_indirect_dma semaphore(%arg11 : memref<!tpu.dma_semaphore, #tpu.memory_space<semaphore_mem>>) src(%dma_wait3A_83 : memref<10112x128xf32, #tpu.memory_space<hbm>>) dst(%dma_wait3A_77 : memref<128x128xf32, #tpu.memory_space<vmem>>)
        %run_scoped3A_84 = arith.constant 1 : i32
        "tpu.region"() ({
          %run_scoped3A_92 = tpu.sem_alloc : memref<!tpu.dma_semaphore, #tpu.memory_space<semaphore_mem>>
          %dma_start3A_93 = arith.constant 0 : i32
          %dma_start3A_94 = arith.constant 0 : i32
          %dma_start3A_95 = tpu.memref_slice %arg8[%run_scoped3A_84, %dma_start3A_93, %dma_start3A_94] : memref<2x128x128xf32, #tpu.memory_space<vmem>> -> memref<1x128x128xf32, #tpu.memory_space<vmem>>
          %dma_start3A_96 = tpu.memref_squeeze %dma_start3A_95 : memref<1x128x128xf32, #tpu.memory_space<vmem>> -> memref<128x128xf32, #tpu.memory_space<vmem>>
          %dma_start3A_97 = arith.constant 0 : i32
          %dma_start3A_98 = tpu.memref_slice %arg7[%add3A_72, %dma_start3A_97] : memref<40x128xi32, #tpu.memory_space<vmem>> -> memref<1x128xi32, #tpu.memory_space<vmem>>
          %dma_start3A_99 = tpu.memref_squeeze %dma_start3A_98 : memref<1x128xi32, #tpu.memory_space<vmem>> -> memref<128xi32, #tpu.memory_space<vmem>>
          %dma_start3A_100 = arith.constant 0 : i32
          %dma_start3A_101 = arith.constant 0 : i32
          %dma_start3A_102 = tpu.memref_slice %arg9[%dma_start3A_100, %dma_start3A_101] : memref<10112x128xf32, #tpu.memory_space<vmem_shared>> -> memref<10112x128xf32, #tpu.memory_space<vmem_shared>>
          tpu.enqueue_indirect_dma source(%dma_start3A_96 : memref<128x128xf32, #tpu.memory_space<vmem>>) target(%dma_start3A_102 : memref<10112x128xf32, #tpu.memory_space<vmem_shared>>) offsets(%dma_start3A_99 : memref<128xi32, #tpu.memory_space<vmem>>) semaphore(%run_scoped3A_92 : memref<!tpu.dma_semaphore, #tpu.memory_space<semaphore_mem>>) {add = true}
          %dma_wait3A_103 = arith.constant 0 : i32
          %dma_wait3A_104 = arith.constant 0 : i32
          %dma_wait3A_105 = tpu.memref_slice %arg8[%run_scoped3A_84, %dma_wait3A_103, %dma_wait3A_104] : memref<2x128x128xf32, #tpu.memory_space<vmem>> -> memref<1x128x128xf32, #tpu.memory_space<vmem>>
          %dma_wait3A_106 = tpu.memref_squeeze %dma_wait3A_105 : memref<1x128x128xf32, #tpu.memory_space<vmem>> -> memref<128x128xf32, #tpu.memory_space<vmem>>
          %dma_wait3A_107 = arith.constant 0 : i32
          %dma_wait3A_108 = tpu.memref_slice %arg7[%add3A_72, %dma_wait3A_107] : memref<40x128xi32, #tpu.memory_space<vmem>> -> memref<1x128xi32, #tpu.memory_space<vmem>>
          %dma_wait3A_109 = tpu.memref_squeeze %dma_wait3A_108 : memref<1x128xi32, #tpu.memory_space<vmem>> -> memref<128xi32, #tpu.memory_space<vmem>>
          %dma_wait3A_110 = arith.constant 0 : i32
          %dma_wait3A_111 = arith.constant 0 : i32
          %dma_wait3A_112 = tpu.memref_slice %arg9[%dma_wait3A_110, %dma_wait3A_111] : memref<10112x128xf32, #tpu.memory_space<vmem_shared>> -> memref<10112x128xf32, #tpu.memory_space<vmem_shared>>
          tpu.wait_indirect_dma semaphore(%run_scoped3A_92 : memref<!tpu.dma_semaphore, #tpu.memory_space<semaphore_mem>>) src(%dma_wait3A_106 : memref<128x128xf32, #tpu.memory_space<vmem>>) dst(%dma_wait3A_112 : memref<10112x128xf32, #tpu.memory_space<vmem_shared>>)
          tpu.yield
        }) : () -> ()
        %add3A_85 = arith.constant 2 : i32
        %add3A_86 = arith.addi %add3A_72, %add3A_85 : i32
        %lt3A_87 = arith.constant 40 : i32
        %lt3A_88 = arith.cmpi slt, %add3A_86, %lt3A_87 : i32
        %convert_element_type3A_89 = arith.extui %lt3A_88 : i1 to i32
        %cond3A_90 = arith.constant 0 : i32
        %cond3A_91 = arith.cmpi ne, %convert_element_type3A_89, %cond3A_90 : i32
        scf.if %cond3A_91 {
          %add3A_92 = arith.constant 2 : i32
          %add3A_93 = arith.addi %add3A_72, %add3A_92 : i32
          %dma_start3A_94 = arith.constant 1 : i32
          %dma_start3A_95 = arith.constant 0 : i32
          %dma_start3A_96 = arith.constant 0 : i32
          %dma_start3A_97 = tpu.memref_slice %arg8[%dma_start3A_94, %dma_start3A_95, %dma_start3A_96] : memref<2x128x128xf32, #tpu.memory_space<vmem>> -> memref<1x128x128xf32, #tpu.memory_space<vmem>>
          %dma_start3A_98 = tpu.memref_squeeze %dma_start3A_97 : memref<1x128x128xf32, #tpu.memory_space<vmem>> -> memref<128x128xf32, #tpu.memory_space<vmem>>
          %dma_start3A_99 = arith.constant 0 : i32
          %dma_start3A_100 = tpu.memref_slice %arg6[%add3A_93, %dma_start3A_99] : memref<40x128xi32, #tpu.memory_space<vmem>> -> memref<1x128xi32, #tpu.memory_space<vmem>>
          %dma_start3A_101 = tpu.memref_squeeze %dma_start3A_100 : memref<1x128xi32, #tpu.memory_space<vmem>> -> memref<128xi32, #tpu.memory_space<vmem>>
          %dma_start3A_102 = arith.constant 0 : i32
          %dma_start3A_103 = arith.constant 0 : i32
          %dma_start3A_104 = tpu.memref_slice %arg2[%dma_start3A_102, %dma_start3A_103] : memref<10112x128xf32, #tpu.memory_space<hbm>> -> memref<10112x128xf32, #tpu.memory_space<hbm>>
          tpu.enqueue_indirect_dma source(%dma_start3A_104 : memref<10112x128xf32, #tpu.memory_space<hbm>>) target(%dma_start3A_98 : memref<128x128xf32, #tpu.memory_space<vmem>>) offsets(%dma_start3A_101 : memref<128xi32, #tpu.memory_space<vmem>>) semaphore(%arg11 : memref<!tpu.dma_semaphore, #tpu.memory_space<semaphore_mem>>)
        } else {
        }
      }
      %scan3A_48 = arith.constant 20 : i32
    }
    %scan3A_13 = arith.constant 2 : i32
    %barrier3A_14 = arith.constant 0 : index
    tpu.barrier barrier_id(%barrier3A_14)
    "tpu.region"() ({
      %run_scoped3A = tpu.sem_alloc : memref<!tpu.dma_semaphore, #tpu.memory_space<semaphore_mem>>
      %dma_start3A = arith.constant 0 : i32
      %dma_start3A_15 = tpu.memref_slice %arg5[%arg0, %mul3A_2, %dma_start3A] : memref<2x10112x128xf32, #tpu.memory_space<hbm>> -> memref<1x632x128xf32, #tpu.memory_space<hbm>>
      %dma_start3A_16 = tpu.memref_squeeze %dma_start3A_15 : memref<1x632x128xf32, #tpu.memory_space<hbm>> -> memref<632x128xf32, #tpu.memory_space<hbm>>
      %dma_start3A_17 = arith.constant 0 : i32
      %dma_start3A_18 = tpu.memref_slice %arg9[%mul3A_2, %dma_start3A_17] : memref<10112x128xf32, #tpu.memory_space<vmem_shared>> -> memref<632x128xf32, #tpu.memory_space<vmem_shared>>
      tpu.enqueue_dma source(%dma_start3A_18 : memref<632x128xf32, #tpu.memory_space<vmem_shared>>) target(%dma_start3A_16 : memref<632x128xf32, #tpu.memory_space<hbm>>) target_semaphore(%run_scoped3A : memref<!tpu.dma_semaphore, #tpu.memory_space<semaphore_mem>>)
      %dma_wait3A = arith.constant 0 : i32
      %dma_wait3A_19 = tpu.memref_slice %arg5[%arg0, %mul3A_2, %dma_wait3A] : memref<2x10112x128xf32, #tpu.memory_space<hbm>> -> memref<1x632x128xf32, #tpu.memory_space<hbm>>
      %dma_wait3A_20 = tpu.memref_squeeze %dma_wait3A_19 : memref<1x632x128xf32, #tpu.memory_space<hbm>> -> memref<632x128xf32, #tpu.memory_space<hbm>>
      %dma_wait3A_21 = arith.constant 0 : i32
      %dma_wait3A_22 = tpu.memref_slice %arg9[%mul3A_2, %dma_wait3A_21] : memref<10112x128xf32, #tpu.memory_space<vmem_shared>> -> memref<632x128xf32, #tpu.memory_space<vmem_shared>>
      tpu.wait_dma2 semaphore(%run_scoped3A : memref<!tpu.dma_semaphore, #tpu.memory_space<semaphore_mem>>) src(%dma_wait3A_22 : memref<632x128xf32, #tpu.memory_space<vmem_shared>>) dst(%dma_wait3A_20 : memref<632x128xf32, #tpu.memory_space<hbm>>)
      tpu.yield
    }) : () -> ()
    return
  }
}

module attributes {stable_mosaic.version = 14 : i64} {
  func.func @_dis_body(%arg0: memref<2x16x10112xf32, #tpu.memory_space<vmem>>, %arg1: memref<1x10112xf32, #tpu.memory_space<vmem>>) attributes {dimension_semantics = [], scalar_prefetch = 0 : i64, scratch_operands = 0 : i64, tpu.core_type = #tpu.core_type<tc>} {
    %get3A = arith.constant 0 : index
    %get3A_0 = arith.constant 0 : index
    %get3A_1 = arith.constant 0 : index
    %get3A_2 = vector.load %arg0[%get3A, %get3A_0, %get3A_1] : memref<2x16x10112xf32, #tpu.memory_space<vmem>>, vector<2x16x10112xf32>
    %reduce_sum3A = arith.constant dense<0.000000e+00> : vector<10112xf32>
    %reduce_sum3A_3 = vector.multi_reduction <add>, %get3A_2, %reduce_sum3A [0, 1] : vector<2x16x10112xf32> to vector<10112xf32>
    %add3A = arith.constant 1.000000e+00 : f32
    %add3A_4 = vector.broadcast %add3A : f32 to vector<10112xf32>
    %add3A_5 = arith.addf %reduce_sum3A_3, %add3A_4 : vector<10112xf32>
    %rsqrt3A = math.rsqrt %add3A_5 : vector<10112xf32>
    %broadcast_in_dim3A = vector.shape_cast %rsqrt3A : vector<10112xf32> to vector<1x10112xf32>
    %swap3A = arith.constant 0 : index
    %swap3A_6 = arith.constant 0 : index
    %swap3A_7 = vector.load %arg1[%swap3A, %swap3A_6] : memref<1x10112xf32, #tpu.memory_space<vmem>>, vector<1x10112xf32>
    tpu.vector_store %arg1[%swap3A, %swap3A_6], %broadcast_in_dim3A {strides = array<i32>} : memref<1x10112xf32, #tpu.memory_space<vmem>>, vector<1x10112xf32>,
    return
  }
}

module attributes {stable_mosaic.version = 14 : i64} {
  func.func @_scale_body(%arg0: memref<10112x1xf32, #tpu.memory_space<vmem>>, %arg1: memref<10112x128xf32, #tpu.memory_space<vmem>>, %arg2: memref<10112x128xf32, #tpu.memory_space<vmem>>) attributes {dimension_semantics = [], scalar_prefetch = 0 : i64, scratch_operands = 0 : i64, tpu.core_type = #tpu.core_type<tc>} {
    %get3A = arith.constant 0 : index
    %get3A_0 = arith.constant 0 : index
    %get3A_1 = vector.load %arg1[%get3A, %get3A_0] : memref<10112x128xf32, #tpu.memory_space<vmem>>, vector<10112x128xf32>
    %get3A_2 = arith.constant 0 : index
    %get3A_3 = arith.constant 0 : index
    %get3A_4 = vector.load %arg0[%get3A_2, %get3A_3] : memref<10112x1xf32, #tpu.memory_space<vmem>>, vector<10112x1xf32>
    %mul3A = vector.broadcast %get3A_4 : vector<10112x1xf32> to vector<10112x128xf32>
    %mul3A_5 = arith.mulf %get3A_1, %mul3A : vector<10112x128xf32>
    %swap3A = arith.constant 0 : index
    %swap3A_6 = arith.constant 0 : index
    %swap3A_7 = vector.load %arg2[%swap3A, %swap3A_6] : memref<10112x128xf32, #tpu.memory_space<vmem>>, vector<10112x128xf32>
    tpu.vector_store %arg2[%swap3A, %swap3A_6], %mul3A_5 {strides = array<i32>} : memref<10112x128xf32, #tpu.memory_space<vmem>>, vector<10112x128xf32>,
    return
  }
}

module attributes {stable_mosaic.version = 14 : i64} {
  func.func @_mid_body(%arg0: memref<2x10112x128xf32, #tpu.memory_space<vmem>>, %arg1: memref<10112x1xf32, #tpu.memory_space<vmem>>, %arg2: memref<128x200xf32, #tpu.memory_space<vmem>>, %arg3: memref<1x200xf32, #tpu.memory_space<vmem>>, %arg4: memref<200x128xf32, #tpu.memory_space<vmem>>, %arg5: memref<10112x128xf32, #tpu.memory_space<vmem>>) attributes {dimension_semantics = [], scalar_prefetch = 0 : i64, scratch_operands = 0 : i64, tpu.core_type = #tpu.core_type<tc>} {
    %get3A = arith.constant 0 : index
    %get3A_0 = arith.constant 0 : index
    %get3A_1 = arith.constant 0 : index
    %get3A_2 = vector.load %arg0[%get3A, %get3A_0, %get3A_1] : memref<2x10112x128xf32, #tpu.memory_space<vmem>>, vector<1x10112x128xf32>
    %get3A_3 = vector.shape_cast %get3A_2 : vector<1x10112x128xf32> to vector<10112x128xf32>
    %get3A_4 = arith.constant 1 : index
    %get3A_5 = arith.constant 0 : index
    %get3A_6 = arith.constant 0 : index
    %get3A_7 = vector.load %arg0[%get3A_4, %get3A_5, %get3A_6] : memref<2x10112x128xf32, #tpu.memory_space<vmem>>, vector<1x10112x128xf32>
    %get3A_8 = vector.shape_cast %get3A_7 : vector<1x10112x128xf32> to vector<10112x128xf32>
    %add3A = arith.addf %get3A_3, %get3A_8 : vector<10112x128xf32>
    %get3A_9 = arith.constant 0 : index
    %get3A_10 = arith.constant 0 : index
    %get3A_11 = vector.load %arg1[%get3A_9, %get3A_10] : memref<10112x1xf32, #tpu.memory_space<vmem>>, vector<10112x1xf32>
    %mul3A = vector.broadcast %get3A_11 : vector<10112x1xf32> to vector<10112x128xf32>
    %mul3A_12 = arith.mulf %add3A, %mul3A : vector<10112x128xf32>
    %get3A_13 = arith.constant 0 : index
    %get3A_14 = arith.constant 0 : index
    %get3A_15 = vector.load %arg2[%get3A_13, %get3A_14] : memref<128x200xf32, #tpu.memory_space<vmem>>, vector<128x200xf32>
    %dot_general3A = arith.constant dense<0.000000e+00> : vector<10112x200xf32>
    %dot_general3A_16 = tpu.matmul %mul3A_12, %get3A_15, %dot_general3A {dimension_numbers = #tpu.dot_dimension_numbers<[1], [0], [0], [1], [0, 0, 1, 1], [], []>, transpose_lhs_hint = false} : vector<10112x128xf32>, vector<128x200xf32>, vector<10112x200xf32> -> vector<10112x200xf32>
    %get3A_17 = arith.constant 0 : index
    %get3A_18 = arith.constant 0 : index
    %get3A_19 = vector.load %arg3[%get3A_17, %get3A_18] : memref<1x200xf32, #tpu.memory_space<vmem>>, vector<1x200xf32>
    %add3A_20 = vector.broadcast %get3A_19 : vector<1x200xf32> to vector<10112x200xf32>
    %add3A_21 = arith.addf %dot_general3A_16, %add3A_20 : vector<10112x200xf32>
    %max3A = arith.constant 0.000000e+00 : f32
    %max3A_22 = vector.broadcast %max3A : f32 to vector<10112x200xf32>
    %max3A_23 = arith.maximumf %add3A_21, %max3A_22 : vector<10112x200xf32>
    %get3A_24 = arith.constant 0 : index
    %get3A_25 = arith.constant 0 : index
    %get3A_26 = vector.load %arg4[%get3A_24, %get3A_25] : memref<200x128xf32, #tpu.memory_space<vmem>>, vector<200x128xf32>
    %dot_general3A_27 = arith.constant dense<0.000000e+00> : vector<10112x128xf32>
    %dot_general3A_28 = tpu.matmul %max3A_23, %get3A_26, %dot_general3A_27 {dimension_numbers = #tpu.dot_dimension_numbers<[1], [0], [0], [1], [0, 0, 1, 1], [], []>, transpose_lhs_hint = false} : vector<10112x200xf32>, vector<200x128xf32>, vector<10112x128xf32> -> vector<10112x128xf32>
    %get3A_29 = arith.constant 0 : index
    %get3A_30 = arith.constant 0 : index
    %get3A_31 = vector.load %arg1[%get3A_29, %get3A_30] : memref<10112x1xf32, #tpu.memory_space<vmem>>, vector<10112x1xf32>
    %mul3A_32 = vector.broadcast %get3A_31 : vector<10112x1xf32> to vector<10112x128xf32>
    %mul3A_33 = arith.mulf %dot_general3A_28, %mul3A_32 : vector<10112x128xf32>
    %swap3A = arith.constant 0 : index
    %swap3A_34 = arith.constant 0 : index
    %swap3A_35 = vector.load %arg5[%swap3A, %swap3A_34] : memref<10112x128xf32, #tpu.memory_space<vmem>>, vector<10112x128xf32>
    tpu.vector_store %arg5[%swap3A, %swap3A_34], %mul3A_33 {strides = array<i32>} : memref<10112x128xf32, #tpu.memory_space<vmem>>, vector<10112x128xf32>,
    return
  }
}

module attributes {stable_mosaic.version = 14 : i64} {
  func.func @_out_body(%arg0: memref<2x10112x128xf32, #tpu.memory_space<vmem>>, %arg1: memref<10112x1xf32, #tpu.memory_space<vmem>>, %arg2: memref<1x128xf32, #tpu.memory_space<vmem>>, %arg3: memref<10000x40xf32, #tpu.memory_space<vmem>>) attributes {dimension_semantics = [], scalar_prefetch = 0 : i64, scratch_operands = 0 : i64, tpu.core_type = #tpu.core_type<tc>} {
    %get3A = arith.constant 0 : index
    %get3A_0 = arith.constant 0 : index
    %get3A_1 = arith.constant 0 : index
    %get3A_2 = vector.load %arg0[%get3A, %get3A_0, %get3A_1] : memref<2x10112x128xf32, #tpu.memory_space<vmem>>, vector<1x10112x128xf32>
    %get3A_3 = vector.shape_cast %get3A_2 : vector<1x10112x128xf32> to vector<10112x128xf32>
    %get3A_4 = arith.constant 1 : index
    %get3A_5 = arith.constant 0 : index
    %get3A_6 = arith.constant 0 : index
    %get3A_7 = vector.load %arg0[%get3A_4, %get3A_5, %get3A_6] : memref<2x10112x128xf32, #tpu.memory_space<vmem>>, vector<1x10112x128xf32>
    %get3A_8 = vector.shape_cast %get3A_7 : vector<1x10112x128xf32> to vector<10112x128xf32>
    %add3A = arith.addf %get3A_3, %get3A_8 : vector<10112x128xf32>
    %get3A_9 = arith.constant 0 : index
    %get3A_10 = arith.constant 0 : index
    %get3A_11 = vector.load %arg1[%get3A_9, %get3A_10] : memref<10112x1xf32, #tpu.memory_space<vmem>>, vector<10112x1xf32>
    %mul3A = vector.broadcast %get3A_11 : vector<10112x1xf32> to vector<10112x128xf32>
    %mul3A_12 = arith.mulf %add3A, %mul3A : vector<10112x128xf32>
    %get3A_13 = arith.constant 0 : index
    %get3A_14 = arith.constant 0 : index
    %get3A_15 = vector.load %arg2[%get3A_13, %get3A_14] : memref<1x128xf32, #tpu.memory_space<vmem>>, vector<1x128xf32>
    %add3A_16 = vector.broadcast %get3A_15 : vector<1x128xf32> to vector<10112x128xf32>
    %add3A_17 = arith.addf %mul3A_12, %add3A_16 : vector<10112x128xf32>
    %slice3A = vector.extract_strided_slice %add3A_17 {offsets = [0, 0], sizes = [10000, 40], strides = [1, 1]} : vector<10112x128xf32> to vector<10000x40xf32>
    %reduce_max3A = arith.constant dense<0xFF800000> : vector<10000xf32>
    %reduce_max3A_18 = vector.multi_reduction <maximumf>, %slice3A, %reduce_max3A [1] : vector<10000x40xf32> to vector<10000xf32>
    %broadcast_in_dim3A = vector.shape_cast %reduce_max3A_18 : vector<10000xf32> to vector<10000x1xf32>
    %sub3A = vector.broadcast %broadcast_in_dim3A : vector<10000x1xf32> to vector<10000x40xf32>
    %sub3A_19 = arith.subf %slice3A, %sub3A : vector<10000x40xf32>
    %exp3A = math.exp %sub3A_19 : vector<10000x40xf32>
    %reduce_sum3A = arith.constant dense<0.000000e+00> : vector<10000xf32>
    %reduce_sum3A_20 = vector.multi_reduction <add>, %exp3A, %reduce_sum3A [1] : vector<10000x40xf32> to vector<10000xf32>
    %broadcast_in_dim3A_21 = vector.shape_cast %reduce_sum3A_20 : vector<10000xf32> to vector<10000x1xf32>
    %log3A = math.log %broadcast_in_dim3A_21 : vector<10000x1xf32>
    %sub3A_22 = vector.broadcast %broadcast_in_dim3A : vector<10000x1xf32> to vector<10000x40xf32>
    %sub3A_23 = arith.subf %slice3A, %sub3A_22 : vector<10000x40xf32>
    %sub3A_24 = vector.broadcast %log3A : vector<10000x1xf32> to vector<10000x40xf32>
    %sub3A_25 = arith.subf %sub3A_23, %sub3A_24 : vector<10000x40xf32>
    %swap3A = arith.constant 0 : index
    %swap3A_26 = arith.constant 0 : index
    %swap3A_27 = vector.load %arg3[%swap3A, %swap3A_26] : memref<10000x40xf32, #tpu.memory_space<vmem>>, vector<10000x40xf32>
    tpu.vector_store %arg3[%swap3A, %swap3A_26], %sub3A_25 {strides = array<i32>} : memref<10000x40xf32, #tpu.memory_space<vmem>>, vector<10000x40xf32>,
    return
  }
}

</mosaic_0001>

<sc_bundles>
// kernel: kernel.12.cloned.1.call-start
scs
__scs_entry_jumppad:
0x0: {  	(pc) =	sbr.rel $0x88, $3  }
0x1: {  	(tag) =	ssettag $0x0;
	lr =	simm.s32 $0x1  }
0x2: {  	[smem:$0x3F9B] =	sst lr;
	_ =	strace $0xD0000000  }
0x3: {  	_ = 	snop  }
0x4: {  	_ = 	snop  }
0x5: {  	_ = 	snop  }
0x6: {  	_ = 	snop  }
0x7: {  	_ = 	snop  }
__scs_overlays_trampoline_lowered:
0x8: {  	[smem:$0x3FAA] =	sst s0  }
0x9: {  	[smem:$0x3FAB] =	sst s1  }
0xa: {  	[smem:$0x3FAC] =	sst s2  }
0xb: {  	[smem:$0x3FAD] =	sst s3  }
0xc: {  	[smem:$0x3FAE] =	sst s4  }
0xd: {  	[smem:$0x3FAF] =	sst s5  }
0xe: {  	[smem:$0x3FB0] =	sst s6  }
0xf: {  	[smem:$0x3FB1] =	sst s7  }
0x10: {  	[smem:$0x3FB2] =	sst s8  }
0x11: {  	[smem:$0x3FB3] =	sst s9;
	s0 =	simm.s32 @!p0 $0x0  }
0x12: {  	s1 =	sld [smem:$0x3F99];
	s0 =	simm.s32 @p0 $0x1  }
0x13: {  	[smem:$0x3FB4] =	sst s0;
	s0 =	simm.s32 @!p1 $0x0  }
0x14: {  	s2 =	sld [smem:$0x3F98];
	s0 =	simm.s32 @p1 $0x1  }
0x15: {  	[smem:$0x3FB5] =	sst s0;
	s0 =	simm.s32 @!p2 $0x0  }
0x16: {  	s3 =	sld [smem:$0x3FDB];
	s0 =	simm.s32 @p2 $0x1  }
0x17: {  	s4 =	simm.s32 $0x1BF5;
	[smem:$0x3FB7] =	sst s0  }
0x18: {  	s0 =	sld [smem:$0x3F9A];
	_ =	swait.ge [sflag:s4], $0x0  }
0x19: {  	s7 =	sld [smem:$0x3F9B]  }
0x1a: {  	s8 =	sadd.s32 $0xFFFFE003, lr  }
0x1b: {  	s9 =	sadd.s32 $0xFFFFFEF7, lr;
	s5 =	simm.s32 $0xFFFFFFFF;
	p2 =	slt.u32 s8, $0xFFFFF086  }
0x1c: {  	p1 =	slt.u32 s9, $0xF7A;
	s5 =	simm.s32 @!p2 $0x0  }
0x1d: {  	s5 =	simm.s32 @p1 $0x1;
	p0 =	seq.s32 s7, s2  }
0x1e: {  	s7 =	smul.u32 @!p0 $0xF7A, s2;
	p2 =	seq.s32 @!p0 s5, $0x0  }
0x1f: {  	s9 =	smul.u32 $0xF7A, s1;
	s8 =	simm.s32 @!p0 $0x1BF5;
	p2 =	por !p2, p0  }
0x20: {  	[sflag:s8] =	ssyncset.s32 @!p0 $0xFFFFF086;
	s6 =	sadd.s32 @!p0 s3, s7;
	s7 =	simm.s32 @!p0 $0x108  }
0x21: {  	s3 =	sadd.s32 s3, s9;
	s6 =	sadd.s32 @!p0 $0x88, s6;
	s7 =	simm.s32 @p2 $0x1082  }
0x22: {  	[simem:s7], [sflag:s8] =	dma.local @!p0 [hbm:s6], $0xF7A  }
0x23: {  	s9 =	sor.u32 $0xD0000000, s2;
	s6 =	simm.s32 $0x108;
	_ =	swait.ge @!p0 [sflag:s8], $0x0  }
0x24: {  	s3 =	sadd.s32 $0x88, s3;
	s6 =	simm.s32 @!p1 $0x1082;
	[sflag:s4] =	ssyncset.s32 $0xFFFFF086  }
0x25: {  	[simem:s6], [sflag:s4] =	dma.local [hbm:s3], $0xF7A  }
0x26: {  	[smem:$0x3F9B] =	sst s1;
	(tag) =	ssettag s2;
	_ =	strace s9  }
0x27: {  	s1 =	sld [smem:$0x3FAB]  }
0x28: {  	s2 =	sld [smem:$0x3FAC]  }
0x29: {  	s4 =	sld [smem:$0x3FAE]  }
0x2a: {  	p0 =	seq.s32 s5, $0x0;
	s5 =	sld [smem:$0x3FAF]  }
0x2b: {  	s6 =	sld [smem:$0x3FB0]  }
0x2c: {  	s7 =	sld [smem:$0x3FB1]  }
0x2d: {  	s3 =	simm.s32 $0x108;
	s8 =	sld [smem:$0x3FB2]  }
0x2e: {  	s3 =	simm.s32 @!p0 $0x1082;
	s9 =	sld [smem:$0x3FB3]  }
0x2f: {  	lr =	sadd.s32 s0, s3;
	s0 =	sld [smem:$0x3FAA]  }
0x30: {  	s3 =	sld [smem:$0x3FAD]  }
0x31: {  	[smem:$0x3FB6] =	sst s10  }
0x32: {  	s10 =	sld [smem:$0x3FB4];
	_ =	sdelay $0x3  }
0x33: {  	p0 =	seq.s32 s10, $0x1;
	s10 =	sld [smem:$0x3FB6];
	_ =	sdelay $0x3  }
0x34: {  	[smem:$0x3FB6] =	sst s10  }
0x35: {  	s10 =	sld [smem:$0x3FB5];
	_ =	sdelay $0x3  }
0x36: {  	p1 =	seq.s32 s10, $0x1;
	s10 =	sld [smem:$0x3FB6];
	_ =	sdelay $0x3  }
0x37: {  	[smem:$0x3FB6] =	sst s10  }
0x38: {  	s10 =	sld [smem:$0x3FB7]  }
0x39: {  	_ = 	snop;
	(pc) =	sbr.ind lr, $3  }
0x3a: {  	_ = 	snop  }
0x3b: {  	_ = 	snop  }
0x3c: {  	p2 =	seq.s32 s10, $0x1;
	s10 =	sld [smem:$0x3FB6]  }
0x3d: {  	_ =	shalt  }
0x3e: {  	_ =	shalt  }
0x3f: {  	_ =	shalt  }
0x40: {  	_ =	shalt  }
0x41: {  	_ =	shalt  }
0x42: {  	_ =	shalt  }
0x43: {  	_ =	shalt  }
0x44: {  	_ =	shalt  }
0x45: {  	_ =	shalt  }
0x46: {  	_ =	shalt  }
0x47: {  	_ =	shalt  }
0x48: {  	_ =	shalt  }
0x49: {  	_ =	shalt  }
0x4a: {  	_ =	shalt  }
0x4b: {  	_ =	shalt  }
0x4c: {  	_ =	shalt  }
0x4d: {  	_ =	shalt  }
0x4e: {  	_ =	shalt  }
0x4f: {  	_ =	shalt  }
0x50: {  	_ =	shalt  }
0x51: {  	_ =	shalt  }
0x52: {  	_ =	shalt  }
0x53: {  	_ =	shalt  }
0x54: {  	_ =	shalt  }
0x55: {  	_ =	shalt  }
0x56: {  	_ =	shalt  }
0x57: {  	_ =	shalt  }
0x58: {  	_ =	shalt  }
0x59: {  	_ =	shalt  }
0x5a: {  	_ =	shalt  }
0x5b: {  	_ =	shalt  }
0x5c: {  	_ =	shalt  }
0x5d: {  	_ =	shalt  }
0x5e: {  	_ =	shalt  }
0x5f: {  	_ =	shalt  }
0x60: {  	_ =	shalt  }
0x61: {  	_ =	shalt  }
0x62: {  	_ =	shalt  }
0x63: {  	_ =	shalt  }
0x64: {  	_ =	shalt  }
0x65: {  	_ =	shalt  }
0x66: {  	_ =	shalt  }
0x67: {  	_ =	shalt  }
0x68: {  	_ =	shalt  }
0x69: {  	_ =	shalt  }
0x6a: {  	_ =	shalt  }
0x6b: {  	_ =	shalt  }
0x6c: {  	_ =	shalt  }
0x6d: {  	_ =	shalt  }
0x6e: {  	_ =	shalt  }
0x6f: {  	_ =	shalt  }
0x70: {  	_ =	shalt  }
0x71: {  	_ =	shalt  }
0x72: {  	_ =	shalt  }
0x73: {  	_ =	shalt  }
0x74: {  	_ =	shalt  }
0x75: {  	_ =	shalt  }
0x76: {  	_ =	shalt  }
0x77: {  	_ =	shalt  }
0x78: {  	_ =	shalt  }
0x79: {  	_ =	shalt  }
0x7a: {  	_ =	shalt  }
0x7b: {  	_ =	shalt  }
0x7c: {  	_ =	shalt  }
0x7d: {  	_ =	shalt  }
0x7e: {  	_ =	shalt  }
0x7f: {  	_ =	shalt  }
0x80: {  	_ =	shalt  }
0x81: {  	_ =	shalt  }
0x82: {  	_ =	shalt  }
0x83: {  	_ =	shalt  }
0x84: {  	_ =	shalt  }
0x85: {  	_ =	shalt  }
0x86: {  	_ =	shalt  }
0x87: {  	_ =	shalt  }
.Lfunc_end0:
.L_simem_size_0:
called_computation.1_lowered:
.L_overlay_start_0:
0x88: {  	s2 =	sld [smem:$0x3FD9]  }
0x89: {  	s3 =	sld [smem:$0x3FFE];
	_ =	sdelay $0x1  }
0x8a: {  	s1 =	srdreg.scid  }
0x8b: {  	s0 =	sand.u32 $0x1, s1  }
0x8c: {  	s16 =	sshll.u32 s0, $0xA;
	s2 =	sadd.s32 s3, s2  }
0x8d: {  	s2 =	sadd.s32 s2, s16  }
0x8e: {  	[smem:$0x3FC2] =	sst s2  }
0x8f: {  	_ = 	snop  }
0x90: {  	(tm) =	ssettm $0x1  }
0x91: {  	s17 =	sld [smem:$0x3FFB];
	_ =	sdelay $0x3  }
0x92: {  	_ =	strace s17  }
0x93: {  	s2 =	sld [smem:$0x3FFC];
	_ =	sdelay $0x3  }
0x94: {  	_ =	strace s2  }
0x95: {  	s2 =	sld [smem:$0x3FFD];
	_ =	sdelay $0x3  }
0x96: {  	_ =	strace s2  }
0x97: {  	_ =	strace $0x8FFFFFFF  }
0x98: {  	s18 =	sld [smem:$0x3FDB];
	_ =	sdelay $0x1  }
0x99: {  	s19 =	simm.s32 $_scs_section_size  }
0x9a: {  	s4 =	simm.s32 $_size__tile_overlayer_lowered;
	s5 =	simm.s32 $_tile_overlayer_lowered  }
0x9b: {  	s22 =	simm.s32 $0x1BFF;
	s21 =	sshll.u32 s5, $0x1;
	s2 =	sadd.s32 s19, s18  }
0x9c: {  	s6 =	simm.s32 $0x0;
	s20 =	sshll.u32 s4, $0x1;
	s4 =	sadd.s32 s21, s2  }
0x9d: {  	[timem:s6], [sflag:s22] =	dma.local [hbm:s4], s20  }
0x9e: {  	_ =	swait.ge [sflag:s22], s20  }
0x9f: {  	s3 =	ssub.s32 $0x0, s20;
	[sflag:s22] =	ssyncset.done $0x0  }
0xa0: {  	[sflag:s22] =	ssyncadd.s32 s3;
	_ =	sdelay $0x1  }
0xa1: {  	s23 =	simm.s32 $0x1B8B  }
0xa2: {  	_ =	swait.ge [sflag:s23], $0x1  }
0xa3: {  	[sflag:s23] =	ssyncset.done $0x0  }
0xa4: {  	s25 =	simm.s32 $0x1B8E;
	s24 =	sld [smem:$0x3FFE];
	[sflag:s23] =	ssyncadd.s32 $0xFFFFFFFF  }
0xa5: {  	s26 =	simm.s32 $execute0_lowered;
	[smem:$0x3FD2] =	sst s25  }
0xa6: {  	s4 =	sshll.u32 s26, $0x1;
	_ =	strace $0x80000049;
	[dreg:$0x1] =	wrdreg $0xFFFFFFFF  }
0xa7: {  	s28 =	simm.s32 $_size_execute0_lowered;
	s2 =	sadd.s32 s2, s4;
	[dreg:$0x0] =	wrdreg $0x0  }
0xa8: {  	s4 =	sshll.u32 s28, $0x1;
	[dreg:$0x2] =	wrdreg s2  }
0xa9: {  	[dreg:$0x3] =	wrdreg s4  }
0xaa: {  	[dreg:$0x4] =	wrdreg $0xC0  }
0xab: {  	_ =	task [dreg:s6], $0x5FFFF  }
0xac: {  	[dreg:$0x1] =	wrdreg $0xFFFFFFFF  }
0xad: {  	[dreg:$0x0] =	wrdreg $0x60  }
0xae: {  	[dreg:$0x2] =	wrdreg s24  }
0xaf: {  	[dreg:$0x3] =	wrdreg $0xA8000  }
0xb0: {  	[dreg:$0x4] =	wrdreg $0x9  }
0xb1: {  	_ =	task.clear_ibuf [dreg:s6], $0x5FFFF;
	_ =	strace $0x90000049  }
0xb2: {  	s29 =	simm.s32 $0x9;
	_ =	strace $0x8000004B  }
0xb3: {  	_ =	swait.ge [sflag:s29], $0x1  }
0xb4: {  	[sflag:s29] =	ssyncadd.s32 $0xFFFFFFFF  }
0xb5: {  	_ =	strace $0x9000004B  }
0xb6: {  	_ =	sfence  }
0xb7: {  	s30 =	sld [smem:$0x0];
	_ =	sdelay $0x2  }
0xb8: {  	s31 =	sshll.u32 s1, $0xD;
	s1 =	sshrl.u32 s1, $0x2  }
0xb9: {  	s3 =	sand.u32 $0x4000, s31;
	s1 =	sadd.s32 s1, s30  }
0xba: {  	s0 =	sor.u32 s3, s0;
	s1 =	sshll.u32 s1, $0x11  }
0xbb: {  	s0 =	sor.u32 s1, s0  }
0xbc: {  	s0 =	sadd.s32 $0x8F2B, s0  }
0xbd: {  	[sflag:s0] =	ssyncadd.remote.s32 $0x1  }
0xbe: {  	_ =	sfence.sel $0xFFFF  }
0xbf: {  	[dreg:$0x0] =	wrdreg $0xFFFFFFFF;
	(pc) =	sbr.abs _section_cstart, $3  }
0xc0: {  	[dreg:$0x1] =	wrdreg $0xFFFFFFFF  }
0xc1: {  	_ =	task.clear_ibuf [dreg:s6], $0x2FFFF;
	_ =	strace $0x9FFFFFFF  }
0xc2: {  	(tm) =	ssettm $0x7FFFFFFF  }
0xc3: {  	_ =	shalt  }
tec
execute0_lowered:
.L_overlay_start_1:
0x0: {  	(tag) =	ssettag $0x1  }
0x1: {  	s0 =	srdreg.scid;
	s6 =	rddreg [dreg:$0x0]  }
0x2: {  	s2 =	rddreg [dreg:$0x1];
	s3 =	simm.s32 $0x0;
	s14 =	simm.s32 $0x3  }
0x3: {  	s15 =	simm.s32 $0x1400;
	s16 =	simm.s32 $0x80;
	s17 =	simm.s32 $0x2800  }
0x4: {  	s18 =	simm.s32 $0x6800;
	s19 =	simm.s32 $0x1;
	s20 =	simm.s32 $0x2  }
0x5: {  	s21 =	simm.s32 $0x2700;
	s22 =	simm.s32 $0x2780;
	s5 =	sand.u32 $0x1, s0  }
0x6: {  	s23 =	simm.s32 $0x0;
	s0 =	stileid.u32;
	s7 =	smul.u32 $0x13C000, s5  }
0x7: {  	[smem:$0x7FF] =	sst s3;
	s10 =	sadd.s32 $0x3DE00, s6;
	s9 =	smul.u32 $0x13C00, s0  }
0x8: {  	s1 =	sshll.u32 s5, $0x4;
	s25 =	ssub.s32 $0x2, s5;
	s26 =	smul.u32 $0x4F000, s0  }
0x9: {  	p0 =	seq.s32 s5, $0x0;
	s30 =	smul.u32 $0x2780, s0;
	s1 =	sor.u32 s0, s1  }
0xa: {  	s31 =	sshll.u32 s0, $0x6;
	s11 =	sshrl.u32 s25, $0x1;
	s4 =	smul.u32 $0x2800, s1  }
0xb: {  	s1 =	rddreg [dreg:$0x2];
	_ =	strace $0x8000004A;
	s7 =	sadd.s32 s9, s7  }
0xc: {  	s28 =	ssub.s32 s25, s11;
	s29 =	sshrl.u32 s26, $0x2;
	s7 =	sshrl.u32 s7, $0x3  }
0xd: {  	s13 =	sadd.s32 s29, s2;
	s8 =	sshrl.u32 s4, $0x3;
	s4 =	sadd.s32 $0x16600, s6  }
0xe: {  	s13 =	sshrl.u32 s13, $0x3;
	s12 =	sadd.s32 s8, s6;
	s6 =	sadd.s32 s7, s6  }
0xf: {  	s10 =	smov.u32 @p0 s4;
	s8 =	sor.u32 $0x1C03, s31;
	s5 =	sadd.s32 $0x65600, s6  }
0x10: {  	s6 =	smax.u32 s28, $0x1;
	s7 =	sadd.s32 s10, s30;
	s9 =	sadd.s32 $0x2600, s12  }
0x11: {  	s10 =	sadd.s32 $0xC600, s12;
	s11 =	sadd.s32 $0x2880, s12;
	s12 =	sadd.s32 $0xC880, s12  }
.LBB2_1:
0x12: {  	[spmem:s13], [sflag:s8] =	dma.local [hbm:s7], $0x2780  }
0x13: {  	_ =	swait.ge [sflag:s14], $0x2780  }
0x14: {  	[sflag:s14] =	ssyncset.done $0x0  }
0x15: {  	[sflag:s14] =	ssyncadd.s32 $0xFFFFD880  }
0x16: {  	[bflag:$0x0] =	sbarrier.arrive $0xFFFF  }
0x17: {  	[tilespmem:s3], [sflag:$0x3] =	stream.linear.gather [hbm4b:s9+s3], $0x1400, $0x38;
	[tilespmem:$0x1E400] =	vst v63  }
0x18: {  	_ =	swait.ge [sflag:s14], $0x1400  }
0x19: {  	[sflag:s14] =	ssyncset.done $0x0  }
0x1a: {  	[sflag:s14] =	ssyncadd.s32 $0xFFFFEC00  }
0x1b: {  	[tilespmem:s15], [sflag:$0x3] =	stream.linear.gather [hbm4b:s10+s3], $0x1400, $0x38;
	[tilespmem:$0x1E400] =	vst v63  }
0x1c: {  	_ =	swait.ge [sflag:s14], $0x1400  }
0x1d: {  	[sflag:s14] =	ssyncset.done $0x0  }
0x1e: {  	[sflag:s14] =	ssyncadd.s32 $0xFFFFEC00  }
0x1f: {  	[tilespmem:s17], [sflag:$0x1] =	stream.indirect.gather [hbm4b:s4+s16], $0x80, s3, s16, $0xb8;
	[tilespmem:$0x1E400] =	vst v63  }
0x20: {  	_ = 	snop  }
0x21: {  	[tilespmem:s18], [sflag:$0x2] =	stream.indirect.gather [hbm4b:s4+s16], $0x80, s16, s16, $0xb8;
	[tilespmem:$0x1E400] =	vst v63  }
0x22: {  	_ =	swait.ge [sflag:s19], $0x4000  }
0x23: {  	[sflag:s19] =	ssyncset.done $0x0  }
0x24: {  	s24 =	simm.s32 $0x1400;
	[sflag:s19] =	ssyncadd.s32 $0xFFFFC000  }
0x25: {  	[spmem:s2] =	stream.indirect.scatter.add.f32 [tilespmem:s17], [sflag:$0x3], $0x80, s24, s16, $0xb8;
	[tilespmem:$0x1E400] =	vst v63  }
0x26: {  	_ =	swait.ge [sflag:s14], $0x4000  }
0x27: {  	[sflag:s14] =	ssyncset.done $0x0  }
0x28: {  	s30 =	simm.s32 $0x100;
	[sflag:s14] =	ssyncadd.s32 $0xFFFFC000  }
0x29: {  	[tilespmem:s17], [sflag:$0x1] =	stream.indirect.gather [hbm4b:s4+s16], $0x80, s30, s16, $0xb8;
	[tilespmem:$0x1E400] =	vst v63  }
0x2a: {  	_ =	swait.ge [sflag:s20], $0x4000  }
0x2b: {  	[sflag:s20] =	ssyncset.done $0x0  }
0x2c: {  	s31 =	simm.s32 $0x1480;
	[sflag:s20] =	ssyncadd.s32 $0xFFFFC000  }
0x2d: {  	[spmem:s2] =	stream.indirect.scatter.add.f32 [tilespmem:s18], [sflag:$0x3], $0x80, s31, s16, $0xb8;
	[tilespmem:$0x1E400] =	vst v63  }
0x2e: {  	_ =	swait.ge [sflag:s14], $0x4000  }
0x2f: {  	[sflag:s14] =	ssyncset.done $0x0  }
0x30: {  	s25 =	simm.s32 $0x180;
	s24 =	simm.s32 $0x400;
	[sflag:s14] =	ssyncadd.s32 $0xFFFFC000  }
.LBB2_2:
0x31: {  	[tilespmem:s18], [sflag:$0x2] =	stream.indirect.gather [hbm4b:s4+s16], $0x80, s25, s16, $0xb8;
	[tilespmem:$0x1E400] =	vst v63  }
0x32: {  	s25 =	smov.u32 s24  }
0x33: {  	p0 =	sne.s32 s24, $0x4800;
	s24 =	sadd.s32 $0x400, s24;
	_ =	swait.ge [sflag:s19], $0x4000  }
0x34: {  	s25 =	sshra.s32 s25, $0x2;
	[sflag:s19] =	ssyncset.done $0x0  }
0x35: {  	s26 =	sadd.s32 $0x1400, s25;
	[sflag:s19] =	ssyncadd.s32 $0xFFFFC000  }
0x36: {  	[spmem:s2] =	stream.indirect.scatter.add.f32 [tilespmem:s17], [sflag:$0x3], $0x80, s26, s16, $0xb8;
	[tilespmem:$0x1E400] =	vst v63  }
0x37: {  	_ =	swait.ge [sflag:s14], $0x4000  }
0x38: {  	[sflag:s14] =	ssyncset.done $0x0  }
0x39: {  	s26 =	sadd.s32 $0x100, s25;
	[sflag:s14] =	ssyncadd.s32 $0xFFFFC000  }
0x3a: {  	[tilespmem:s17], [sflag:$0x1] =	stream.indirect.gather [hbm4b:s4+s16], $0x80, s26, s16, $0xb8;
	[tilespmem:$0x1E400] =	vst v63  }
0x3b: {  	_ =	swait.ge [sflag:s20], $0x4000  }
0x3c: {  	[sflag:s20] =	ssyncset.done $0x0  }
.Ltmp0:
0x3d: {  	s26 =	sadd.s32 $0x1480, s25;
	[sflag:s20] =	ssyncadd.s32 $0xFFFFC000;
	(pc) =	sbr.rel @p0 .LBB2_2-.Ltmp0, $4  }
0x3e: {  	[spmem:s2] =	stream.indirect.scatter.add.f32 [tilespmem:s18], [sflag:$0x3], $0x80, s26, s16, $0xb8;
	[tilespmem:$0x1E400] =	vst v63  }
0x3f: {  	_ =	swait.ge [sflag:s14], $0x4000  }
0x40: {  	[sflag:s14] =	ssyncset.done $0x0  }
0x41: {  	s25 =	sadd.s32 $0x180, s25;
	[sflag:s14] =	ssyncadd.s32 $0xFFFFC000  }
0x42: {  	[tilespmem:s18], [sflag:$0x2] =	stream.indirect.gather [hbm4b:s4+s16], $0x80, s25, s16, $0xb8;
	[tilespmem:$0x1E400] =	vst v63  }
0x43: {  	_ =	swait.ge [sflag:s19], $0x4000  }
0x44: {  	[sflag:s19] =	ssyncset.done $0x0  }
0x45: {  	[sflag:s19] =	ssyncadd.s32 $0xFFFFC000  }
0x46: {  	[spmem:s2] =	stream.indirect.scatter.add.f32 [tilespmem:s17], [sflag:$0x3], $0x80, s21, s16, $0xb8;
	[tilespmem:$0x1E400] =	vst v63  }
0x47: {  	_ =	swait.ge [sflag:s14], $0x4000  }
0x48: {  	[sflag:s14] =	ssyncset.done $0x0  }
0x49: {  	[sflag:s14] =	ssyncadd.s32 $0xFFFFC000  }
0x4a: {  	_ =	swait.ge [sflag:s20], $0x4000  }
0x4b: {  	[sflag:s20] =	ssyncset.done $0x0  }
0x4c: {  	[sflag:s20] =	ssyncadd.s32 $0xFFFFC000  }
0x4d: {  	[spmem:s2] =	stream.indirect.scatter.add.f32 [tilespmem:s18], [sflag:$0x3], $0x80, s22, s16, $0xb8;
	[tilespmem:$0x1E400] =	vst v63  }
0x4e: {  	_ =	swait.ge [sflag:s14], $0x4000  }
0x4f: {  	[sflag:s14] =	ssyncset.done $0x0  }
0x50: {  	s24 =	simm.s32 $0x0;
	[sflag:s14] =	ssyncadd.s32 $0xFFFFC000  }
0x51: {  	[tilespmem:s24], [sflag:$0x3] =	stream.linear.gather [hbm4b:s11+s24], $0x1400, $0x38;
	[tilespmem:$0x1E400] =	vst v63  }
0x52: {  	_ =	swait.ge [sflag:s14], $0x1400  }
0x53: {  	[sflag:s14] =	ssyncset.done $0x0  }
0x54: {  	[sflag:s14] =	ssyncadd.s32 $0xFFFFEC00  }
0x55: {  	[tilespmem:s15], [sflag:$0x3] =	stream.linear.gather [hbm4b:s12+s24], $0x1400, $0x38;
	[tilespmem:$0x1E400] =	vst v63  }
0x56: {  	_ =	swait.ge [sflag:s14], $0x1400  }
0x57: {  	[sflag:s14] =	ssyncset.done $0x0  }
0x58: {  	[sflag:s14] =	ssyncadd.s32 $0xFFFFEC00  }
0x59: {  	[tilespmem:s17], [sflag:$0x1] =	stream.indirect.gather [hbm4b:s4+s16], $0x80, s24, s16, $0xb8;
	[tilespmem:$0x1E400] =	vst v63  }
0x5a: {  	_ = 	snop  }
0x5b: {  	[tilespmem:s18], [sflag:$0x2] =	stream.indirect.gather [hbm4b:s4+s16], $0x80, s16, s16, $0xb8;
	[tilespmem:$0x1E400] =	vst v63  }
0x5c: {  	_ =	swait.ge [sflag:s19], $0x4000  }
0x5d: {  	[sflag:s19] =	ssyncset.done $0x0  }
0x5e: {  	s29 =	simm.s32 $0x1400;
	[sflag:s19] =	ssyncadd.s32 $0xFFFFC000  }
0x5f: {  	[spmem:s2] =	stream.indirect.scatter.add.f32 [tilespmem:s17], [sflag:$0x3], $0x80, s29, s16, $0xb8;
	[tilespmem:$0x1E400] =	vst v63  }
0x60: {  	_ =	swait.ge [sflag:s14], $0x4000  }
0x61: {  	[sflag:s14] =	ssyncset.done $0x0  }
0x62: {  	s30 =	simm.s32 $0x100;
	[sflag:s14] =	ssyncadd.s32 $0xFFFFC000  }
0x63: {  	[tilespmem:s17], [sflag:$0x1] =	stream.indirect.gather [hbm4b:s4+s16], $0x80, s30, s16, $0xb8;
	[tilespmem:$0x1E400] =	vst v63  }
0x64: {  	_ =	swait.ge [sflag:s20], $0x4000  }
0x65: {  	[sflag:s20] =	ssyncset.done $0x0  }
0x66: {  	s31 =	simm.s32 $0x1480;
	[sflag:s20] =	ssyncadd.s32 $0xFFFFC000  }
0x67: {  	[spmem:s2] =	stream.indirect.scatter.add.f32 [tilespmem:s18], [sflag:$0x3], $0x80, s31, s16, $0xb8;
	[tilespmem:$0x1E400] =	vst v63  }
0x68: {  	_ =	swait.ge [sflag:s14], $0x4000  }
0x69: {  	[sflag:s14] =	ssyncset.done $0x0  }
0x6a: {  	s25 =	simm.s32 $0x180;
	s24 =	simm.s32 $0x400;
	[sflag:s14] =	ssyncadd.s32 $0xFFFFC000  }
.LBB2_4:
0x6b: {  	[tilespmem:s18], [sflag:$0x2] =	stream.indirect.gather [hbm4b:s4+s16], $0x80, s25, s16, $0xb8;
	[tilespmem:$0x1E400] =	vst v63  }
0x6c: {  	s25 =	smov.u32 s24  }
0x6d: {  	p0 =	sne.s32 s24, $0x4800;
	s24 =	sadd.s32 $0x400, s24;
	_ =	swait.ge [sflag:s19], $0x4000  }
0x6e: {  	s25 =	sshra.s32 s25, $0x2;
	[sflag:s19] =	ssyncset.done $0x0  }
0x6f: {  	s26 =	sadd.s32 $0x1400, s25;
	[sflag:s19] =	ssyncadd.s32 $0xFFFFC000  }
0x70: {  	[spmem:s2] =	stream.indirect.scatter.add.f32 [tilespmem:s17], [sflag:$0x3], $0x80, s26, s16, $0xb8;
	[tilespmem:$0x1E400] =	vst v63  }
0x71: {  	_ =	swait.ge [sflag:s14], $0x4000  }
0x72: {  	[sflag:s14] =	ssyncset.done $0x0  }
0x73: {  	s26 =	sadd.s32 $0x100, s25;
	[sflag:s14] =	ssyncadd.s32 $0xFFFFC000  }
0x74: {  	[tilespmem:s17], [sflag:$0x1] =	stream.indirect.gather [hbm4b:s4+s16], $0x80, s26, s16, $0xb8;
	[tilespmem:$0x1E400] =	vst v63  }
0x75: {  	_ =	swait.ge [sflag:s20], $0x4000  }
0x76: {  	[sflag:s20] =	ssyncset.done $0x0  }
.Ltmp1:
0x77: {  	s26 =	sadd.s32 $0x1480, s25;
	[sflag:s20] =	ssyncadd.s32 $0xFFFFC000;
	(pc) =	sbr.rel @p0 .LBB2_4-.Ltmp1, $4  }
0x78: {  	[spmem:s2] =	stream.indirect.scatter.add.f32 [tilespmem:s18], [sflag:$0x3], $0x80, s26, s16, $0xb8;
	[tilespmem:$0x1E400] =	vst v63  }
0x79: {  	_ =	swait.ge [sflag:s14], $0x4000  }
0x7a: {  	[sflag:s14] =	ssyncset.done $0x0  }
0x7b: {  	s25 =	sadd.s32 $0x180, s25;
	[sflag:s14] =	ssyncadd.s32 $0xFFFFC000  }
0x7c: {  	[tilespmem:s18], [sflag:$0x2] =	stream.indirect.gather [hbm4b:s4+s16], $0x80, s25, s16, $0xb8;
	[tilespmem:$0x1E400] =	vst v63  }
0x7d: {  	_ =	swait.ge [sflag:s19], $0x4000  }
0x7e: {  	[sflag:s19] =	ssyncset.done $0x0  }
0x7f: {  	[sflag:s19] =	ssyncadd.s32 $0xFFFFC000  }
0x80: {  	[spmem:s2] =	stream.indirect.scatter.add.f32 [tilespmem:s17], [sflag:$0x3], $0x80, s21, s16, $0xb8;
	[tilespmem:$0x1E400] =	vst v63  }
0x81: {  	_ =	swait.ge [sflag:s14], $0x4000  }
0x82: {  	[sflag:s14] =	ssyncset.done $0x0  }
0x83: {  	[sflag:s14] =	ssyncadd.s32 $0xFFFFC000  }
0x84: {  	_ =	swait.ge [sflag:s20], $0x4000  }
0x85: {  	[sflag:s20] =	ssyncset.done $0x0  }
0x86: {  	[sflag:s20] =	ssyncadd.s32 $0xFFFFC000  }
0x87: {  	[spmem:s2] =	stream.indirect.scatter.add.f32 [tilespmem:s18], [sflag:$0x3], $0x80, s22, s16, $0xb8;
	[tilespmem:$0x1E400] =	vst v63  }
0x88: {  	_ =	swait.ge [sflag:s14], $0x4000  }
0x89: {  	s23 =	sadd.s32 $0x1, s23;
	[sflag:s14] =	ssyncset.done $0x0  }
0x8a: {  	p0 =	sne.s32 s23, s6;
	[sflag:s14] =	ssyncadd.s32 $0xFFFFC000  }
.Ltmp2:
0x8b: {  	[bflag:$0x0] =	sbarrier.arrive $0xFFFF;
	(pc) =	sbr.rel @p0 .LBB2_1-.Ltmp2, $4  }
0x8c: {  	[hbm:s5], [sflag:s8] =	dma.local [spmem:s13], $0x2780  }
0x8d: {  	_ =	swait.ge [sflag:s14], $0x2780  }
0x8e: {  	[sflag:s14] =	ssyncset.done $0x0  }
0x8f: {  	[sflag:s14] =	ssyncadd.s32 $0xFFFFD880  }
0x90: {  	_ =	sfence.sel $0x180000  }
0x91: {  	[bflag:$0x0] =	sbarrier.arrive $0xFFFF  }
0x92: {  	p0 =	sne.s32 s0, $0x0;
	_ =	strace $0x9000004A  }
0x93: {  	s0 =	sadd.s32 @!p0 $0x100000, s1;
	[bflag:$0x2] =	sbarrier.arrive $0xFFFF  }
0x94: {  	[sflag:s0] =	ssyncadd.tile.s32 @!p0 $0x1;
	_ =	shalt  }
.Lfunc_end2:
_tile_overlayer_lowered:
.L_overlay_start_2:
0x95: {  	(tag) =	ssettag $0x2  }
0x96: {  	s0 =	rddreg [dreg:$0x0];
	s2 =	stileid.u32  }
0x97: {  	s1 =	rddreg [dreg:$0x1];
	p0 =	sne.s32 s2, $0x0  }
0x98: {  	s3 =	rddreg [dreg:$0x2];
	[bflag:$0x3] =	sbarrier.arrive $0xFFFF;
	s2 =	simm.s32 @!p0 $0x1C03  }
0x99: {  	[timem:s3], [sflag:s2] =	dma.local @!p0 [hbm:s0], s1  }
0x9a: {  	s0 =	simm.s32 @!p0 $0x3  }
0x9b: {  	_ =	swait.ge @!p0 [sflag:s0], s1  }
0x9c: {  	s1 =	ssub.s32 @!p0 $0x0, s1;
	[sflag:s0] =	ssyncset.done @!p0 $0x0  }
0x9d: {  	[sflag:s0] =	ssyncadd.s32 @!p0 s1  }
0x9e: {  	[bflag:$0x3] =	sbarrier.arrive $0xFFFF  }
0x9f: {  	_ =	shalt  }

// kernel: kernel.15.cloned.1.call-start
scs
__scs_entry_jumppad:
0x0: {  	(pc) =	sbr.rel $0x88, $3  }
0x1: {  	(tag) =	ssettag $0x0;
	lr =	simm.s32 $0x1  }
0x2: {  	[smem:$0x3F9B] =	sst lr;
	_ =	strace $0xD0000000  }
0x3: {  	_ = 	snop  }
0x4: {  	_ = 	snop  }
0x5: {  	_ = 	snop  }
0x6: {  	_ = 	snop  }
0x7: {  	_ = 	snop  }
__scs_overlays_trampoline_lowered:
0x8: {  	[smem:$0x3FAA] =	sst s0  }
0x9: {  	[smem:$0x3FAB] =	sst s1  }
0xa: {  	[smem:$0x3FAC] =	sst s2  }
0xb: {  	[smem:$0x3FAD] =	sst s3  }
0xc: {  	[smem:$0x3FAE] =	sst s4  }
0xd: {  	[smem:$0x3FAF] =	sst s5  }
0xe: {  	[smem:$0x3FB0] =	sst s6  }
0xf: {  	[smem:$0x3FB1] =	sst s7  }
0x10: {  	[smem:$0x3FB2] =	sst s8  }
0x11: {  	[smem:$0x3FB3] =	sst s9;
	s0 =	simm.s32 @!p0 $0x0  }
0x12: {  	s1 =	sld [smem:$0x3F99];
	s0 =	simm.s32 @p0 $0x1  }
0x13: {  	[smem:$0x3FB4] =	sst s0;
	s0 =	simm.s32 @!p1 $0x0  }
0x14: {  	s2 =	sld [smem:$0x3F98];
	s0 =	simm.s32 @p1 $0x1  }
0x15: {  	[smem:$0x3FB5] =	sst s0;
	s0 =	simm.s32 @!p2 $0x0  }
0x16: {  	s3 =	sld [smem:$0x3FDB];
	s0 =	simm.s32 @p2 $0x1  }
0x17: {  	s4 =	simm.s32 $0x1BF5;
	[smem:$0x3FB7] =	sst s0  }
0x18: {  	s0 =	sld [smem:$0x3F9A];
	_ =	swait.ge [sflag:s4], $0x0  }
0x19: {  	s7 =	sld [smem:$0x3F9B]  }
0x1a: {  	s8 =	sadd.s32 $0xFFFFE003, lr  }
0x1b: {  	s9 =	sadd.s32 $0xFFFFFEF7, lr;
	s5 =	simm.s32 $0xFFFFFFFF;
	p2 =	slt.u32 s8, $0xFFFFF086  }
0x1c: {  	p1 =	slt.u32 s9, $0xF7A;
	s5 =	simm.s32 @!p2 $0x0  }
0x1d: {  	s5 =	simm.s32 @p1 $0x1;
	p0 =	seq.s32 s7, s2  }
0x1e: {  	s7 =	smul.u32 @!p0 $0xF7A, s2;
	p2 =	seq.s32 @!p0 s5, $0x0  }
0x1f: {  	s9 =	smul.u32 $0xF7A, s1;
	s8 =	simm.s32 @!p0 $0x1BF5;
	p2 =	por !p2, p0  }
0x20: {  	[sflag:s8] =	ssyncset.s32 @!p0 $0xFFFFF086;
	s6 =	sadd.s32 @!p0 s3, s7;
	s7 =	simm.s32 @!p0 $0x108  }
0x21: {  	s3 =	sadd.s32 s3, s9;
	s6 =	sadd.s32 @!p0 $0x88, s6;
	s7 =	simm.s32 @p2 $0x1082  }
0x22: {  	[simem:s7], [sflag:s8] =	dma.local @!p0 [hbm:s6], $0xF7A  }
0x23: {  	s9 =	sor.u32 $0xD0000000, s2;
	s6 =	simm.s32 $0x108;
	_ =	swait.ge @!p0 [sflag:s8], $0x0  }
0x24: {  	s3 =	sadd.s32 $0x88, s3;
	s6 =	simm.s32 @!p1 $0x1082;
	[sflag:s4] =	ssyncset.s32 $0xFFFFF086  }
0x25: {  	[simem:s6], [sflag:s4] =	dma.local [hbm:s3], $0xF7A  }
0x26: {  	[smem:$0x3F9B] =	sst s1;
	(tag) =	ssettag s2;
	_ =	strace s9  }
0x27: {  	s1 =	sld [smem:$0x3FAB]  }
0x28: {  	s2 =	sld [smem:$0x3FAC]  }
0x29: {  	s4 =	sld [smem:$0x3FAE]  }
0x2a: {  	p0 =	seq.s32 s5, $0x0;
	s5 =	sld [smem:$0x3FAF]  }
0x2b: {  	s6 =	sld [smem:$0x3FB0]  }
0x2c: {  	s7 =	sld [smem:$0x3FB1]  }
0x2d: {  	s3 =	simm.s32 $0x108;
	s8 =	sld [smem:$0x3FB2]  }
0x2e: {  	s3 =	simm.s32 @!p0 $0x1082;
	s9 =	sld [smem:$0x3FB3]  }
0x2f: {  	lr =	sadd.s32 s0, s3;
	s0 =	sld [smem:$0x3FAA]  }
0x30: {  	s3 =	sld [smem:$0x3FAD]  }
0x31: {  	[smem:$0x3FB6] =	sst s10  }
0x32: {  	s10 =	sld [smem:$0x3FB4];
	_ =	sdelay $0x3  }
0x33: {  	p0 =	seq.s32 s10, $0x1;
	s10 =	sld [smem:$0x3FB6];
	_ =	sdelay $0x3  }
0x34: {  	[smem:$0x3FB6] =	sst s10  }
0x35: {  	s10 =	sld [smem:$0x3FB5];
	_ =	sdelay $0x3  }
0x36: {  	p1 =	seq.s32 s10, $0x1;
	s10 =	sld [smem:$0x3FB6];
	_ =	sdelay $0x3  }
0x37: {  	[smem:$0x3FB6] =	sst s10  }
0x38: {  	s10 =	sld [smem:$0x3FB7]  }
0x39: {  	_ = 	snop;
	(pc) =	sbr.ind lr, $3  }
0x3a: {  	_ = 	snop  }
0x3b: {  	_ = 	snop  }
0x3c: {  	p2 =	seq.s32 s10, $0x1;
	s10 =	sld [smem:$0x3FB6]  }
0x3d: {  	_ =	shalt  }
0x3e: {  	_ =	shalt  }
0x3f: {  	_ =	shalt  }
0x40: {  	_ =	shalt  }
0x41: {  	_ =	shalt  }
0x42: {  	_ =	shalt  }
0x43: {  	_ =	shalt  }
0x44: {  	_ =	shalt  }
0x45: {  	_ =	shalt  }
0x46: {  	_ =	shalt  }
0x47: {  	_ =	shalt  }
0x48: {  	_ =	shalt  }
0x49: {  	_ =	shalt  }
0x4a: {  	_ =	shalt  }
0x4b: {  	_ =	shalt  }
0x4c: {  	_ =	shalt  }
0x4d: {  	_ =	shalt  }
0x4e: {  	_ =	shalt  }
0x4f: {  	_ =	shalt  }
0x50: {  	_ =	shalt  }
0x51: {  	_ =	shalt  }
0x52: {  	_ =	shalt  }
0x53: {  	_ =	shalt  }
0x54: {  	_ =	shalt  }
0x55: {  	_ =	shalt  }
0x56: {  	_ =	shalt  }
0x57: {  	_ =	shalt  }
0x58: {  	_ =	shalt  }
0x59: {  	_ =	shalt  }
0x5a: {  	_ =	shalt  }
0x5b: {  	_ =	shalt  }
0x5c: {  	_ =	shalt  }
0x5d: {  	_ =	shalt  }
0x5e: {  	_ =	shalt  }
0x5f: {  	_ =	shalt  }
0x60: {  	_ =	shalt  }
0x61: {  	_ =	shalt  }
0x62: {  	_ =	shalt  }
0x63: {  	_ =	shalt  }
0x64: {  	_ =	shalt  }
0x65: {  	_ =	shalt  }
0x66: {  	_ =	shalt  }
0x67: {  	_ =	shalt  }
0x68: {  	_ =	shalt  }
0x69: {  	_ =	shalt  }
0x6a: {  	_ =	shalt  }
0x6b: {  	_ =	shalt  }
0x6c: {  	_ =	shalt  }
0x6d: {  	_ =	shalt  }
0x6e: {  	_ =	shalt  }
0x6f: {  	_ =	shalt  }
0x70: {  	_ =	shalt  }
0x71: {  	_ =	shalt  }
0x72: {  	_ =	shalt  }
0x73: {  	_ =	shalt  }
0x74: {  	_ =	shalt  }
0x75: {  	_ =	shalt  }
0x76: {  	_ =	shalt  }
0x77: {  	_ =	shalt  }
0x78: {  	_ =	shalt  }
0x79: {  	_ =	shalt  }
0x7a: {  	_ =	shalt  }
0x7b: {  	_ =	shalt  }
0x7c: {  	_ =	shalt  }
0x7d: {  	_ =	shalt  }
0x7e: {  	_ =	shalt  }
0x7f: {  	_ =	shalt  }
0x80: {  	_ =	shalt  }
0x81: {  	_ =	shalt  }
0x82: {  	_ =	shalt  }
0x83: {  	_ =	shalt  }
0x84: {  	_ =	shalt  }
0x85: {  	_ =	shalt  }
0x86: {  	_ =	shalt  }
0x87: {  	_ =	shalt  }
.Lfunc_end0:
.L_simem_size_0:
called_computation.2_lowered:
.L_overlay_start_0:
0x88: {  	s2 =	sld [smem:$0x3FD9]  }
0x89: {  	s3 =	sld [smem:$0x3FFE];
	_ =	sdelay $0x1  }
0x8a: {  	s1 =	srdreg.scid  }
0x8b: {  	s0 =	sand.u32 $0x1, s1  }
0x8c: {  	s16 =	sshll.u32 s0, $0xA;
	s2 =	sadd.s32 s3, s2  }
0x8d: {  	s2 =	sadd.s32 s2, s16  }
0x8e: {  	[smem:$0x3FC2] =	sst s2  }
0x8f: {  	_ = 	snop  }
0x90: {  	(tm) =	ssettm $0x1  }
0x91: {  	s17 =	sld [smem:$0x3FFB];
	_ =	sdelay $0x3  }
0x92: {  	_ =	strace s17  }
0x93: {  	s2 =	sld [smem:$0x3FFC];
	_ =	sdelay $0x3  }
0x94: {  	_ =	strace s2  }
0x95: {  	s2 =	sld [smem:$0x3FFD];
	_ =	sdelay $0x3  }
0x96: {  	_ =	strace s2  }
0x97: {  	_ =	strace $0x8FFFFFFF  }
0x98: {  	s18 =	sld [smem:$0x3FDB];
	_ =	sdelay $0x1  }
0x99: {  	s19 =	simm.s32 $_scs_section_size  }
0x9a: {  	s4 =	simm.s32 $_size__tile_overlayer_lowered;
	s5 =	simm.s32 $_tile_overlayer_lowered  }
0x9b: {  	s22 =	simm.s32 $0x1BFF;
	s21 =	sshll.u32 s5, $0x1;
	s2 =	sadd.s32 s19, s18  }
0x9c: {  	s6 =	simm.s32 $0x0;
	s20 =	sshll.u32 s4, $0x1;
	s4 =	sadd.s32 s21, s2  }
0x9d: {  	[timem:s6], [sflag:s22] =	dma.local [hbm:s4], s20  }
0x9e: {  	_ =	swait.ge [sflag:s22], s20  }
0x9f: {  	s3 =	ssub.s32 $0x0, s20;
	[sflag:s22] =	ssyncset.done $0x0  }
0xa0: {  	[sflag:s22] =	ssyncadd.s32 s3;
	_ =	sdelay $0x1  }
0xa1: {  	s23 =	simm.s32 $0x1B8B  }
0xa2: {  	_ =	swait.ge [sflag:s23], $0x1  }
0xa3: {  	[sflag:s23] =	ssyncset.done $0x0  }
0xa4: {  	s25 =	simm.s32 $0x1B8E;
	s24 =	sld [smem:$0x3FFE];
	[sflag:s23] =	ssyncadd.s32 $0xFFFFFFFF  }
0xa5: {  	s26 =	simm.s32 $execute0_lowered;
	[smem:$0x3FD2] =	sst s25  }
0xa6: {  	s4 =	sshll.u32 s26, $0x1;
	_ =	strace $0x8000004C;
	[dreg:$0x1] =	wrdreg $0xFFFFFFFF  }
0xa7: {  	s28 =	simm.s32 $_size_execute0_lowered;
	s2 =	sadd.s32 s2, s4;
	[dreg:$0x0] =	wrdreg $0x0  }
0xa8: {  	s4 =	sshll.u32 s28, $0x1;
	[dreg:$0x2] =	wrdreg s2  }
0xa9: {  	[dreg:$0x3] =	wrdreg s4  }
0xaa: {  	[dreg:$0x4] =	wrdreg $0xC0  }
0xab: {  	_ =	task [dreg:s6], $0x5FFFF  }
0xac: {  	[dreg:$0x1] =	wrdreg $0xFFFFFFFF  }
0xad: {  	[dreg:$0x0] =	wrdreg $0x60  }
0xae: {  	[dreg:$0x2] =	wrdreg s24  }
0xaf: {  	[dreg:$0x3] =	wrdreg $0xA8000  }
0xb0: {  	[dreg:$0x4] =	wrdreg $0x9  }
0xb1: {  	_ =	task.clear_ibuf [dreg:s6], $0x5FFFF;
	_ =	strace $0x9000004C  }
0xb2: {  	s29 =	simm.s32 $0x9;
	_ =	strace $0x8000004E  }
0xb3: {  	_ =	swait.ge [sflag:s29], $0x1  }
0xb4: {  	[sflag:s29] =	ssyncadd.s32 $0xFFFFFFFF  }
0xb5: {  	_ =	strace $0x9000004E  }
0xb6: {  	_ =	sfence  }
0xb7: {  	s30 =	sld [smem:$0x0];
	_ =	sdelay $0x2  }
0xb8: {  	s31 =	sshll.u32 s1, $0xD;
	s1 =	sshrl.u32 s1, $0x2  }
0xb9: {  	s3 =	sand.u32 $0x4000, s31;
	s1 =	sadd.s32 s1, s30  }
0xba: {  	s0 =	sor.u32 s3, s0;
	s1 =	sshll.u32 s1, $0x11  }
0xbb: {  	s0 =	sor.u32 s1, s0  }
0xbc: {  	s0 =	sadd.s32 $0x8F2B, s0  }
0xbd: {  	[sflag:s0] =	ssyncadd.remote.s32 $0x1  }
0xbe: {  	_ =	sfence.sel $0xFFFF  }
0xbf: {  	[dreg:$0x0] =	wrdreg $0xFFFFFFFF;
	(pc) =	sbr.abs _section_cstart, $3  }
0xc0: {  	[dreg:$0x1] =	wrdreg $0xFFFFFFFF  }
0xc1: {  	_ =	task.clear_ibuf [dreg:s6], $0x2FFFF;
	_ =	strace $0x9FFFFFFF  }
0xc2: {  	(tm) =	ssettm $0x7FFFFFFF  }
0xc3: {  	_ =	shalt  }
tec
execute0_lowered:
.L_overlay_start_1:
0x0: {  	(tag) =	ssettag $0x1  }
0x1: {  	s0 =	srdreg.scid;
	s6 =	rddreg [dreg:$0x0]  }
0x2: {  	s2 =	rddreg [dreg:$0x1];
	s3 =	simm.s32 $0x0;
	s14 =	simm.s32 $0x3  }
0x3: {  	s15 =	simm.s32 $0x1400;
	s16 =	simm.s32 $0x80;
	s17 =	simm.s32 $0x2800  }
0x4: {  	s18 =	simm.s32 $0x6800;
	s19 =	simm.s32 $0x1;
	s20 =	simm.s32 $0x2  }
0x5: {  	s21 =	simm.s32 $0x2700;
	s22 =	simm.s32 $0x2780;
	s5 =	sand.u32 $0x1, s0  }
0x6: {  	s23 =	simm.s32 $0x0;
	s0 =	stileid.u32;
	s7 =	smul.u32 $0x13C000, s5  }
0x7: {  	[smem:$0x7FF] =	sst s3;
	s10 =	sadd.s32 $0x3DE00, s6;
	s9 =	smul.u32 $0x13C00, s0  }
0x8: {  	s1 =	sshll.u32 s5, $0x4;
	s25 =	ssub.s32 $0x2, s5;
	s26 =	smul.u32 $0x4F000, s0  }
0x9: {  	p0 =	seq.s32 s5, $0x0;
	s30 =	smul.u32 $0x2780, s0;
	s1 =	sor.u32 s0, s1  }
0xa: {  	s31 =	sshll.u32 s0, $0x6;
	s11 =	sshrl.u32 s25, $0x1;
	s4 =	smul.u32 $0x2800, s1  }
0xb: {  	s1 =	rddreg [dreg:$0x2];
	_ =	strace $0x8000004D;
	s7 =	sadd.s32 s9, s7  }
0xc: {  	s28 =	ssub.s32 s25, s11;
	s29 =	sshrl.u32 s26, $0x2;
	s7 =	sshrl.u32 s7, $0x3  }
0xd: {  	s13 =	sadd.s32 s29, s2;
	s8 =	sshrl.u32 s4, $0x3;
	s4 =	sadd.s32 $0x16600, s6  }
0xe: {  	s13 =	sshrl.u32 s13, $0x3;
	s12 =	sadd.s32 s8, s6;
	s6 =	sadd.s32 s7, s6  }
0xf: {  	s10 =	smov.u32 @p0 s4;
	s8 =	sor.u32 $0x1C03, s31;
	s5 =	sadd.s32 $0x65600, s6  }
0x10: {  	s6 =	smax.u32 s28, $0x1;
	s7 =	sadd.s32 s10, s30;
	s9 =	sadd.s32 $0x2600, s12  }
0x11: {  	s10 =	sadd.s32 $0xC600, s12;
	s11 =	sadd.s32 $0x2880, s12;
	s12 =	sadd.s32 $0xC880, s12  }
.LBB2_1:
0x12: {  	[spmem:s13], [sflag:s8] =	dma.local [hbm:s7], $0x2780  }
0x13: {  	_ =	swait.ge [sflag:s14], $0x2780  }
0x14: {  	[sflag:s14] =	ssyncset.done $0x0  }
0x15: {  	[sflag:s14] =	ssyncadd.s32 $0xFFFFD880  }
0x16: {  	[bflag:$0x0] =	sbarrier.arrive $0xFFFF  }
0x17: {  	[tilespmem:s3], [sflag:$0x3] =	stream.linear.gather [hbm4b:s9+s3], $0x1400, $0x38;
	[tilespmem:$0x1E400] =	vst v63  }
0x18: {  	_ =	swait.ge [sflag:s14], $0x1400  }
0x19: {  	[sflag:s14] =	ssyncset.done $0x0  }
0x1a: {  	[sflag:s14] =	ssyncadd.s32 $0xFFFFEC00  }
0x1b: {  	[tilespmem:s15], [sflag:$0x3] =	stream.linear.gather [hbm4b:s10+s3], $0x1400, $0x38;
	[tilespmem:$0x1E400] =	vst v63  }
0x1c: {  	_ =	swait.ge [sflag:s14], $0x1400  }
0x1d: {  	[sflag:s14] =	ssyncset.done $0x0  }
0x1e: {  	[sflag:s14] =	ssyncadd.s32 $0xFFFFEC00  }
0x1f: {  	[tilespmem:s17], [sflag:$0x1] =	stream.indirect.gather [hbm4b:s4+s16], $0x80, s3, s16, $0xb8;
	[tilespmem:$0x1E400] =	vst v63  }
0x20: {  	_ = 	snop  }
0x21: {  	[tilespmem:s18], [sflag:$0x2] =	stream.indirect.gather [hbm4b:s4+s16], $0x80, s16, s16, $0xb8;
	[tilespmem:$0x1E400] =	vst v63  }
0x22: {  	_ =	swait.ge [sflag:s19], $0x4000  }
0x23: {  	[sflag:s19] =	ssyncset.done $0x0  }
0x24: {  	s24 =	simm.s32 $0x1400;
	[sflag:s19] =	ssyncadd.s32 $0xFFFFC000  }
0x25: {  	[spmem:s2] =	stream.indirect.scatter.add.f32 [tilespmem:s17], [sflag:$0x3], $0x80, s24, s16, $0xb8;
	[tilespmem:$0x1E400] =	vst v63  }
0x26: {  	_ =	swait.ge [sflag:s14], $0x4000  }
0x27: {  	[sflag:s14] =	ssyncset.done $0x0  }
0x28: {  	s30 =	simm.s32 $0x100;
	[sflag:s14] =	ssyncadd.s32 $0xFFFFC000  }
0x29: {  	[tilespmem:s17], [sflag:$0x1] =	stream.indirect.gather [hbm4b:s4+s16], $0x80, s30, s16, $0xb8;
	[tilespmem:$0x1E400] =	vst v63  }
0x2a: {  	_ =	swait.ge [sflag:s20], $0x4000  }
0x2b: {  	[sflag:s20] =	ssyncset.done $0x0  }
0x2c: {  	s31 =	simm.s32 $0x1480;
	[sflag:s20] =	ssyncadd.s32 $0xFFFFC000  }
0x2d: {  	[spmem:s2] =	stream.indirect.scatter.add.f32 [tilespmem:s18], [sflag:$0x3], $0x80, s31, s16, $0xb8;
	[tilespmem:$0x1E400] =	vst v63  }
0x2e: {  	_ =	swait.ge [sflag:s14], $0x4000  }
0x2f: {  	[sflag:s14] =	ssyncset.done $0x0  }
0x30: {  	s25 =	simm.s32 $0x180;
	s24 =	simm.s32 $0x400;
	[sflag:s14] =	ssyncadd.s32 $0xFFFFC000  }
.LBB2_2:
0x31: {  	[tilespmem:s18], [sflag:$0x2] =	stream.indirect.gather [hbm4b:s4+s16], $0x80, s25, s16, $0xb8;
	[tilespmem:$0x1E400] =	vst v63  }
0x32: {  	s25 =	smov.u32 s24  }
0x33: {  	p0 =	sne.s32 s24, $0x4800;
	s24 =	sadd.s32 $0x400, s24;
	_ =	swait.ge [sflag:s19], $0x4000  }
0x34: {  	s25 =	sshra.s32 s25, $0x2;
	[sflag:s19] =	ssyncset.done $0x0  }
0x35: {  	s26 =	sadd.s32 $0x1400, s25;
	[sflag:s19] =	ssyncadd.s32 $0xFFFFC000  }
0x36: {  	[spmem:s2] =	stream.indirect.scatter.add.f32 [tilespmem:s17], [sflag:$0x3], $0x80, s26, s16, $0xb8;
	[tilespmem:$0x1E400] =	vst v63  }
0x37: {  	_ =	swait.ge [sflag:s14], $0x4000  }
0x38: {  	[sflag:s14] =	ssyncset.done $0x0  }
0x39: {  	s26 =	sadd.s32 $0x100, s25;
	[sflag:s14] =	ssyncadd.s32 $0xFFFFC000  }
0x3a: {  	[tilespmem:s17], [sflag:$0x1] =	stream.indirect.gather [hbm4b:s4+s16], $0x80, s26, s16, $0xb8;
	[tilespmem:$0x1E400] =	vst v63  }
0x3b: {  	_ =	swait.ge [sflag:s20], $0x4000  }
0x3c: {  	[sflag:s20] =	ssyncset.done $0x0  }
.Ltmp0:
0x3d: {  	s26 =	sadd.s32 $0x1480, s25;
	[sflag:s20] =	ssyncadd.s32 $0xFFFFC000;
	(pc) =	sbr.rel @p0 .LBB2_2-.Ltmp0, $4  }
0x3e: {  	[spmem:s2] =	stream.indirect.scatter.add.f32 [tilespmem:s18], [sflag:$0x3], $0x80, s26, s16, $0xb8;
	[tilespmem:$0x1E400] =	vst v63  }
0x3f: {  	_ =	swait.ge [sflag:s14], $0x4000  }
0x40: {  	[sflag:s14] =	ssyncset.done $0x0  }
0x41: {  	s25 =	sadd.s32 $0x180, s25;
	[sflag:s14] =	ssyncadd.s32 $0xFFFFC000  }
0x42: {  	[tilespmem:s18], [sflag:$0x2] =	stream.indirect.gather [hbm4b:s4+s16], $0x80, s25, s16, $0xb8;
	[tilespmem:$0x1E400] =	vst v63  }
0x43: {  	_ =	swait.ge [sflag:s19], $0x4000  }
0x44: {  	[sflag:s19] =	ssyncset.done $0x0  }
0x45: {  	[sflag:s19] =	ssyncadd.s32 $0xFFFFC000  }
0x46: {  	[spmem:s2] =	stream.indirect.scatter.add.f32 [tilespmem:s17], [sflag:$0x3], $0x80, s21, s16, $0xb8;
	[tilespmem:$0x1E400] =	vst v63  }
0x47: {  	_ =	swait.ge [sflag:s14], $0x4000  }
0x48: {  	[sflag:s14] =	ssyncset.done $0x0  }
0x49: {  	[sflag:s14] =	ssyncadd.s32 $0xFFFFC000  }
0x4a: {  	_ =	swait.ge [sflag:s20], $0x4000  }
0x4b: {  	[sflag:s20] =	ssyncset.done $0x0  }
0x4c: {  	[sflag:s20] =	ssyncadd.s32 $0xFFFFC000  }
0x4d: {  	[spmem:s2] =	stream.indirect.scatter.add.f32 [tilespmem:s18], [sflag:$0x3], $0x80, s22, s16, $0xb8;
	[tilespmem:$0x1E400] =	vst v63  }
0x4e: {  	_ =	swait.ge [sflag:s14], $0x4000  }
0x4f: {  	[sflag:s14] =	ssyncset.done $0x0  }
0x50: {  	s24 =	simm.s32 $0x0;
	[sflag:s14] =	ssyncadd.s32 $0xFFFFC000  }
0x51: {  	[tilespmem:s24], [sflag:$0x3] =	stream.linear.gather [hbm4b:s11+s24], $0x1400, $0x38;
	[tilespmem:$0x1E400] =	vst v63  }
0x52: {  	_ =	swait.ge [sflag:s14], $0x1400  }
0x53: {  	[sflag:s14] =	ssyncset.done $0x0  }
0x54: {  	[sflag:s14] =	ssyncadd.s32 $0xFFFFEC00  }
0x55: {  	[tilespmem:s15], [sflag:$0x3] =	stream.linear.gather [hbm4b:s12+s24], $0x1400, $0x38;
	[tilespmem:$0x1E400] =	vst v63  }
0x56: {  	_ =	swait.ge [sflag:s14], $0x1400  }
0x57: {  	[sflag:s14] =	ssyncset.done $0x0  }
0x58: {  	[sflag:s14] =	ssyncadd.s32 $0xFFFFEC00  }
0x59: {  	[tilespmem:s17], [sflag:$0x1] =	stream.indirect.gather [hbm4b:s4+s16], $0x80, s24, s16, $0xb8;
	[tilespmem:$0x1E400] =	vst v63  }
0x5a: {  	_ = 	snop  }
0x5b: {  	[tilespmem:s18], [sflag:$0x2] =	stream.indirect.gather [hbm4b:s4+s16], $0x80, s16, s16, $0xb8;
	[tilespmem:$0x1E400] =	vst v63  }
0x5c: {  	_ =	swait.ge [sflag:s19], $0x4000  }
0x5d: {  	[sflag:s19] =	ssyncset.done $0x0  }
0x5e: {  	s29 =	simm.s32 $0x1400;
	[sflag:s19] =	ssyncadd.s32 $0xFFFFC000  }
0x5f: {  	[spmem:s2] =	stream.indirect.scatter.add.f32 [tilespmem:s17], [sflag:$0x3], $0x80, s29, s16, $0xb8;
	[tilespmem:$0x1E400] =	vst v63  }
0x60: {  	_ =	swait.ge [sflag:s14], $0x4000  }
0x61: {  	[sflag:s14] =	ssyncset.done $0x0  }
0x62: {  	s30 =	simm.s32 $0x100;
	[sflag:s14] =	ssyncadd.s32 $0xFFFFC000  }
0x63: {  	[tilespmem:s17], [sflag:$0x1] =	stream.indirect.gather [hbm4b:s4+s16], $0x80, s30, s16, $0xb8;
	[tilespmem:$0x1E400] =	vst v63  }
0x64: {  	_ =	swait.ge [sflag:s20], $0x4000  }
0x65: {  	[sflag:s20] =	ssyncset.done $0x0  }
0x66: {  	s31 =	simm.s32 $0x1480;
	[sflag:s20] =	ssyncadd.s32 $0xFFFFC000  }
0x67: {  	[spmem:s2] =	stream.indirect.scatter.add.f32 [tilespmem:s18], [sflag:$0x3], $0x80, s31, s16, $0xb8;
	[tilespmem:$0x1E400] =	vst v63  }
0x68: {  	_ =	swait.ge [sflag:s14], $0x4000  }
0x69: {  	[sflag:s14] =	ssyncset.done $0x0  }
0x6a: {  	s25 =	simm.s32 $0x180;
	s24 =	simm.s32 $0x400;
	[sflag:s14] =	ssyncadd.s32 $0xFFFFC000  }
.LBB2_4:
0x6b: {  	[tilespmem:s18], [sflag:$0x2] =	stream.indirect.gather [hbm4b:s4+s16], $0x80, s25, s16, $0xb8;
	[tilespmem:$0x1E400] =	vst v63  }
0x6c: {  	s25 =	smov.u32 s24  }
0x6d: {  	p0 =	sne.s32 s24, $0x4800;
	s24 =	sadd.s32 $0x400, s24;
	_ =	swait.ge [sflag:s19], $0x4000  }
0x6e: {  	s25 =	sshra.s32 s25, $0x2;
	[sflag:s19] =	ssyncset.done $0x0  }
0x6f: {  	s26 =	sadd.s32 $0x1400, s25;
	[sflag:s19] =	ssyncadd.s32 $0xFFFFC000  }
0x70: {  	[spmem:s2] =	stream.indirect.scatter.add.f32 [tilespmem:s17], [sflag:$0x3], $0x80, s26, s16, $0xb8;
	[tilespmem:$0x1E400] =	vst v63  }
0x71: {  	_ =	swait.ge [sflag:s14], $0x4000  }
0x72: {  	[sflag:s14] =	ssyncset.done $0x0  }
0x73: {  	s26 =	sadd.s32 $0x100, s25;
	[sflag:s14] =	ssyncadd.s32 $0xFFFFC000  }
0x74: {  	[tilespmem:s17], [sflag:$0x1] =	stream.indirect.gather [hbm4b:s4+s16], $0x80, s26, s16, $0xb8;
	[tilespmem:$0x1E400] =	vst v63  }
0x75: {  	_ =	swait.ge [sflag:s20], $0x4000  }
0x76: {  	[sflag:s20] =	ssyncset.done $0x0  }
.Ltmp1:
0x77: {  	s26 =	sadd.s32 $0x1480, s25;
	[sflag:s20] =	ssyncadd.s32 $0xFFFFC000;
	(pc) =	sbr.rel @p0 .LBB2_4-.Ltmp1, $4  }
0x78: {  	[spmem:s2] =	stream.indirect.scatter.add.f32 [tilespmem:s18], [sflag:$0x3], $0x80, s26, s16, $0xb8;
	[tilespmem:$0x1E400] =	vst v63  }
0x79: {  	_ =	swait.ge [sflag:s14], $0x4000  }
0x7a: {  	[sflag:s14] =	ssyncset.done $0x0  }
0x7b: {  	s25 =	sadd.s32 $0x180, s25;
	[sflag:s14] =	ssyncadd.s32 $0xFFFFC000  }
0x7c: {  	[tilespmem:s18], [sflag:$0x2] =	stream.indirect.gather [hbm4b:s4+s16], $0x80, s25, s16, $0xb8;
	[tilespmem:$0x1E400] =	vst v63  }
0x7d: {  	_ =	swait.ge [sflag:s19], $0x4000  }
0x7e: {  	[sflag:s19] =	ssyncset.done $0x0  }
0x7f: {  	[sflag:s19] =	ssyncadd.s32 $0xFFFFC000  }
0x80: {  	[spmem:s2] =	stream.indirect.scatter.add.f32 [tilespmem:s17], [sflag:$0x3], $0x80, s21, s16, $0xb8;
	[tilespmem:$0x1E400] =	vst v63  }
0x81: {  	_ =	swait.ge [sflag:s14], $0x4000  }
0x82: {  	[sflag:s14] =	ssyncset.done $0x0  }
0x83: {  	[sflag:s14] =	ssyncadd.s32 $0xFFFFC000  }
0x84: {  	_ =	swait.ge [sflag:s20], $0x4000  }
0x85: {  	[sflag:s20] =	ssyncset.done $0x0  }
0x86: {  	[sflag:s20] =	ssyncadd.s32 $0xFFFFC000  }
0x87: {  	[spmem:s2] =	stream.indirect.scatter.add.f32 [tilespmem:s18], [sflag:$0x3], $0x80, s22, s16, $0xb8;
	[tilespmem:$0x1E400] =	vst v63  }
0x88: {  	_ =	swait.ge [sflag:s14], $0x4000  }
0x89: {  	s23 =	sadd.s32 $0x1, s23;
	[sflag:s14] =	ssyncset.done $0x0  }
0x8a: {  	p0 =	sne.s32 s23, s6;
	[sflag:s14] =	ssyncadd.s32 $0xFFFFC000  }
.Ltmp2:
0x8b: {  	[bflag:$0x0] =	sbarrier.arrive $0xFFFF;
	(pc) =	sbr.rel @p0 .LBB2_1-.Ltmp2, $4  }
0x8c: {  	[hbm:s5], [sflag:s8] =	dma.local [spmem:s13], $0x2780  }
0x8d: {  	_ =	swait.ge [sflag:s14], $0x2780  }
0x8e: {  	[sflag:s14] =	ssyncset.done $0x0  }
0x8f: {  	[sflag:s14] =	ssyncadd.s32 $0xFFFFD880  }
0x90: {  	_ =	sfence.sel $0x180000  }
0x91: {  	[bflag:$0x0] =	sbarrier.arrive $0xFFFF  }
0x92: {  	p0 =	sne.s32 s0, $0x0;
	_ =	strace $0x9000004D  }
0x93: {  	s0 =	sadd.s32 @!p0 $0x100000, s1;
	[bflag:$0x2] =	sbarrier.arrive $0xFFFF  }
0x94: {  	[sflag:s0] =	ssyncadd.tile.s32 @!p0 $0x1;
	_ =	shalt  }
.Lfunc_end2:
_tile_overlayer_lowered:
.L_overlay_start_2:
0x95: {  	(tag) =	ssettag $0x2  }
0x96: {  	s0 =	rddreg [dreg:$0x0];
	s2 =	stileid.u32  }
0x97: {  	s1 =	rddreg [dreg:$0x1];
	p0 =	sne.s32 s2, $0x0  }
0x98: {  	s3 =	rddreg [dreg:$0x2];
	[bflag:$0x3] =	sbarrier.arrive $0xFFFF;
	s2 =	simm.s32 @!p0 $0x1C03  }
0x99: {  	[timem:s3], [sflag:s2] =	dma.local @!p0 [hbm:s0], s1  }
0x9a: {  	s0 =	simm.s32 @!p0 $0x3  }
0x9b: {  	_ =	swait.ge @!p0 [sflag:s0], s1  }
0x9c: {  	s1 =	ssub.s32 @!p0 $0x0, s1;
	[sflag:s0] =	ssyncset.done @!p0 $0x0  }
0x9d: {  	[sflag:s0] =	ssyncadd.s32 @!p0 s1  }
0x9e: {  	[bflag:$0x3] =	sbarrier.arrive $0xFFFF  }
0x9f: {  	_ =	shalt  }

// kernel: kernel.9.cloned.1.call-start
scs
__scs_entry_jumppad:
0x0: {  	(pc) =	sbr.rel $0x88, $3  }
0x1: {  	(tag) =	ssettag $0x0;
	lr =	simm.s32 $0x1  }
0x2: {  	[smem:$0x3F9B] =	sst lr;
	_ =	strace $0xD0000000  }
0x3: {  	_ = 	snop  }
0x4: {  	_ = 	snop  }
0x5: {  	_ = 	snop  }
0x6: {  	_ = 	snop  }
0x7: {  	_ = 	snop  }
__scs_overlays_trampoline_lowered:
0x8: {  	[smem:$0x3FAA] =	sst s0  }
0x9: {  	[smem:$0x3FAB] =	sst s1  }
0xa: {  	[smem:$0x3FAC] =	sst s2  }
0xb: {  	[smem:$0x3FAD] =	sst s3  }
0xc: {  	[smem:$0x3FAE] =	sst s4  }
0xd: {  	[smem:$0x3FAF] =	sst s5  }
0xe: {  	[smem:$0x3FB0] =	sst s6  }
0xf: {  	[smem:$0x3FB1] =	sst s7  }
0x10: {  	[smem:$0x3FB2] =	sst s8  }
0x11: {  	[smem:$0x3FB3] =	sst s9;
	s0 =	simm.s32 @!p0 $0x0  }
0x12: {  	s1 =	sld [smem:$0x3F99];
	s0 =	simm.s32 @p0 $0x1  }
0x13: {  	[smem:$0x3FB4] =	sst s0;
	s0 =	simm.s32 @!p1 $0x0  }
0x14: {  	s2 =	sld [smem:$0x3F98];
	s0 =	simm.s32 @p1 $0x1  }
0x15: {  	[smem:$0x3FB5] =	sst s0;
	s0 =	simm.s32 @!p2 $0x0  }
0x16: {  	s3 =	sld [smem:$0x3FDB];
	s0 =	simm.s32 @p2 $0x1  }
0x17: {  	s4 =	simm.s32 $0x1BF5;
	[smem:$0x3FB7] =	sst s0  }
0x18: {  	s0 =	sld [smem:$0x3F9A];
	_ =	swait.ge [sflag:s4], $0x0  }
0x19: {  	s7 =	sld [smem:$0x3F9B]  }
0x1a: {  	s8 =	sadd.s32 $0xFFFFE003, lr  }
0x1b: {  	s9 =	sadd.s32 $0xFFFFFEF7, lr;
	s5 =	simm.s32 $0xFFFFFFFF;
	p2 =	slt.u32 s8, $0xFFFFF086  }
0x1c: {  	p1 =	slt.u32 s9, $0xF7A;
	s5 =	simm.s32 @!p2 $0x0  }
0x1d: {  	s5 =	simm.s32 @p1 $0x1;
	p0 =	seq.s32 s7, s2  }
0x1e: {  	s7 =	smul.u32 @!p0 $0xF7A, s2;
	p2 =	seq.s32 @!p0 s5, $0x0  }
0x1f: {  	s9 =	smul.u32 $0xF7A, s1;
	s8 =	simm.s32 @!p0 $0x1BF5;
	p2 =	por !p2, p0  }
0x20: {  	[sflag:s8] =	ssyncset.s32 @!p0 $0xFFFFF086;
	s6 =	sadd.s32 @!p0 s3, s7;
	s7 =	simm.s32 @!p0 $0x108  }
0x21: {  	s3 =	sadd.s32 s3, s9;
	s6 =	sadd.s32 @!p0 $0x88, s6;
	s7 =	simm.s32 @p2 $0x1082  }
0x22: {  	[simem:s7], [sflag:s8] =	dma.local @!p0 [hbm:s6], $0xF7A  }
0x23: {  	s9 =	sor.u32 $0xD0000000, s2;
	s6 =	simm.s32 $0x108;
	_ =	swait.ge @!p0 [sflag:s8], $0x0  }
0x24: {  	s3 =	sadd.s32 $0x88, s3;
	s6 =	simm.s32 @!p1 $0x1082;
	[sflag:s4] =	ssyncset.s32 $0xFFFFF086  }
0x25: {  	[simem:s6], [sflag:s4] =	dma.local [hbm:s3], $0xF7A  }
0x26: {  	[smem:$0x3F9B] =	sst s1;
	(tag) =	ssettag s2;
	_ =	strace s9  }
0x27: {  	s1 =	sld [smem:$0x3FAB]  }
0x28: {  	s2 =	sld [smem:$0x3FAC]  }
0x29: {  	s4 =	sld [smem:$0x3FAE]  }
0x2a: {  	p0 =	seq.s32 s5, $0x0;
	s5 =	sld [smem:$0x3FAF]  }
0x2b: {  	s6 =	sld [smem:$0x3FB0]  }
0x2c: {  	s7 =	sld [smem:$0x3FB1]  }
0x2d: {  	s3 =	simm.s32 $0x108;
	s8 =	sld [smem:$0x3FB2]  }
0x2e: {  	s3 =	simm.s32 @!p0 $0x1082;
	s9 =	sld [smem:$0x3FB3]  }
0x2f: {  	lr =	sadd.s32 s0, s3;
	s0 =	sld [smem:$0x3FAA]  }
0x30: {  	s3 =	sld [smem:$0x3FAD]  }
0x31: {  	[smem:$0x3FB6] =	sst s10  }
0x32: {  	s10 =	sld [smem:$0x3FB4];
	_ =	sdelay $0x3  }
0x33: {  	p0 =	seq.s32 s10, $0x1;
	s10 =	sld [smem:$0x3FB6];
	_ =	sdelay $0x3  }
0x34: {  	[smem:$0x3FB6] =	sst s10  }
0x35: {  	s10 =	sld [smem:$0x3FB5];
	_ =	sdelay $0x3  }
0x36: {  	p1 =	seq.s32 s10, $0x1;
	s10 =	sld [smem:$0x3FB6];
	_ =	sdelay $0x3  }
0x37: {  	[smem:$0x3FB6] =	sst s10  }
0x38: {  	s10 =	sld [smem:$0x3FB7]  }
0x39: {  	_ = 	snop;
	(pc) =	sbr.ind lr, $3  }
0x3a: {  	_ = 	snop  }
0x3b: {  	_ = 	snop  }
0x3c: {  	p2 =	seq.s32 s10, $0x1;
	s10 =	sld [smem:$0x3FB6]  }
0x3d: {  	_ =	shalt  }
0x3e: {  	_ =	shalt  }
0x3f: {  	_ =	shalt  }
0x40: {  	_ =	shalt  }
0x41: {  	_ =	shalt  }
0x42: {  	_ =	shalt  }
0x43: {  	_ =	shalt  }
0x44: {  	_ =	shalt  }
0x45: {  	_ =	shalt  }
0x46: {  	_ =	shalt  }
0x47: {  	_ =	shalt  }
0x48: {  	_ =	shalt  }
0x49: {  	_ =	shalt  }
0x4a: {  	_ =	shalt  }
0x4b: {  	_ =	shalt  }
0x4c: {  	_ =	shalt  }
0x4d: {  	_ =	shalt  }
0x4e: {  	_ =	shalt  }
0x4f: {  	_ =	shalt  }
0x50: {  	_ =	shalt  }
0x51: {  	_ =	shalt  }
0x52: {  	_ =	shalt  }
0x53: {  	_ =	shalt  }
0x54: {  	_ =	shalt  }
0x55: {  	_ =	shalt  }
0x56: {  	_ =	shalt  }
0x57: {  	_ =	shalt  }
0x58: {  	_ =	shalt  }
0x59: {  	_ =	shalt  }
0x5a: {  	_ =	shalt  }
0x5b: {  	_ =	shalt  }
0x5c: {  	_ =	shalt  }
0x5d: {  	_ =	shalt  }
0x5e: {  	_ =	shalt  }
0x5f: {  	_ =	shalt  }
0x60: {  	_ =	shalt  }
0x61: {  	_ =	shalt  }
0x62: {  	_ =	shalt  }
0x63: {  	_ =	shalt  }
0x64: {  	_ =	shalt  }
0x65: {  	_ =	shalt  }
0x66: {  	_ =	shalt  }
0x67: {  	_ =	shalt  }
0x68: {  	_ =	shalt  }
0x69: {  	_ =	shalt  }
0x6a: {  	_ =	shalt  }
0x6b: {  	_ =	shalt  }
0x6c: {  	_ =	shalt  }
0x6d: {  	_ =	shalt  }
0x6e: {  	_ =	shalt  }
0x6f: {  	_ =	shalt  }
0x70: {  	_ =	shalt  }
0x71: {  	_ =	shalt  }
0x72: {  	_ =	shalt  }
0x73: {  	_ =	shalt  }
0x74: {  	_ =	shalt  }
0x75: {  	_ =	shalt  }
0x76: {  	_ =	shalt  }
0x77: {  	_ =	shalt  }
0x78: {  	_ =	shalt  }
0x79: {  	_ =	shalt  }
0x7a: {  	_ =	shalt  }
0x7b: {  	_ =	shalt  }
0x7c: {  	_ =	shalt  }
0x7d: {  	_ =	shalt  }
0x7e: {  	_ =	shalt  }
0x7f: {  	_ =	shalt  }
0x80: {  	_ =	shalt  }
0x81: {  	_ =	shalt  }
0x82: {  	_ =	shalt  }
0x83: {  	_ =	shalt  }
0x84: {  	_ =	shalt  }
0x85: {  	_ =	shalt  }
0x86: {  	_ =	shalt  }
0x87: {  	_ =	shalt  }
.Lfunc_end0:
.L_simem_size_0:
called_computation_lowered:
.L_overlay_start_0:
0x88: {  	s2 =	sld [smem:$0x3FD9]  }
0x89: {  	s3 =	sld [smem:$0x3FFE];
	_ =	sdelay $0x1  }
0x8a: {  	s1 =	srdreg.scid  }
0x8b: {  	s0 =	sand.u32 $0x1, s1  }
0x8c: {  	s17 =	sshll.u32 s0, $0xA;
	s2 =	sadd.s32 s3, s2  }
0x8d: {  	s2 =	sadd.s32 s2, s17  }
0x8e: {  	[smem:$0x3FC2] =	sst s2  }
0x8f: {  	_ = 	snop  }
0x90: {  	s2 =	sld [smem:$0x3FD0];
	(tm) =	ssettm $0x1  }
0x91: {  	s18 =	sld [smem:$0x3FFB];
	_ =	sdelay $0x3  }
0x92: {  	_ =	strace s18  }
0x93: {  	s3 =	sld [smem:$0x3FFC];
	_ =	sdelay $0x3  }
0x94: {  	_ =	strace s3  }
0x95: {  	s3 =	sld [smem:$0x3FFD];
	_ =	sdelay $0x3  }
0x96: {  	_ =	strace s3  }
0x97: {  	_ =	strace $0x8FFFFFFF  }
0x98: {  	s19 =	sld [smem:$0x3FDB];
	_ =	sdelay $0x1  }
0x99: {  	s4 =	simm.s32 $_scs_section_size  }
0x9a: {  	s5 =	simm.s32 $_size__tile_overlayer_lowered;
	s6 =	simm.s32 $_tile_overlayer_lowered  }
0x9b: {  	s22 =	simm.s32 $0x1BFF;
	s21 =	sshll.u32 s6, $0x1;
	s3 =	sadd.s32 s4, s19  }
0x9c: {  	s7 =	simm.s32 $0x0;
	s20 =	sshll.u32 s5, $0x1;
	s5 =	sadd.s32 s21, s3  }
0x9d: {  	[timem:s7], [sflag:s22] =	dma.local [hbm:s5], s20  }
0x9e: {  	_ =	swait.ge [sflag:s22], s20  }
0x9f: {  	s4 =	ssub.s32 $0x0, s20;
	[sflag:s22] =	ssyncset.done $0x0  }
0xa0: {  	[sflag:s22] =	ssyncadd.s32 s4;
	_ =	sdelay $0x1  }
0xa1: {  	s23 =	simm.s32 $0x1B8B  }
0xa2: {  	_ =	swait.ge [sflag:s23], $0x1  }
0xa3: {  	[sflag:s23] =	ssyncset.done $0x0  }
0xa4: {  	s25 =	simm.s32 $0x1B8E;
	s24 =	sld [smem:$0x3FFE];
	[sflag:s23] =	ssyncadd.s32 $0xFFFFFFFF  }
0xa5: {  	s26 =	simm.s32 $execute0_lowered;
	[smem:$0x3FD2] =	sst s25  }
0xa6: {  	s5 =	sshll.u32 s26, $0x1;
	_ =	strace $0x80000046;
	[dreg:$0x1] =	wrdreg $0xFFFFFFFF  }
0xa7: {  	s28 =	simm.s32 $_size_execute0_lowered;
	s3 =	sadd.s32 s3, s5;
	[dreg:$0x0] =	wrdreg $0x0  }
0xa8: {  	s5 =	sshll.u32 s28, $0x1;
	[dreg:$0x2] =	wrdreg s3  }
0xa9: {  	[dreg:$0x3] =	wrdreg s5  }
0xaa: {  	[dreg:$0x4] =	wrdreg $0xC0  }
0xab: {  	_ =	task [dreg:s7], $0x5FFFF  }
0xac: {  	[dreg:$0x1] =	wrdreg $0xFFFFFFFF  }
0xad: {  	[dreg:$0x0] =	wrdreg $0x60  }
0xae: {  	[dreg:$0x2] =	wrdreg s24  }
0xaf: {  	[dreg:$0x3] =	wrdreg s2  }
0xb0: {  	[dreg:$0x4] =	wrdreg $0x9  }
0xb1: {  	_ =	task.clear_ibuf [dreg:s7], $0x5FFFF;
	_ =	strace $0x90000046  }
0xb2: {  	s29 =	simm.s32 $0x9;
	_ =	strace $0x80000048  }
0xb3: {  	_ =	swait.ge [sflag:s29], $0x1  }
0xb4: {  	[sflag:s29] =	ssyncadd.s32 $0xFFFFFFFF  }
0xb5: {  	_ =	strace $0x90000048  }
0xb6: {  	_ =	sfence  }
0xb7: {  	s30 =	sld [smem:$0x0];
	_ =	sdelay $0x2  }
0xb8: {  	s31 =	sshll.u32 s1, $0xD;
	s1 =	sshrl.u32 s1, $0x2  }
0xb9: {  	s3 =	sand.u32 $0x4000, s31;
	s1 =	sadd.s32 s1, s30  }
0xba: {  	s0 =	sor.u32 s3, s0;
	s1 =	sshll.u32 s1, $0x11  }
0xbb: {  	s0 =	sor.u32 s1, s0  }
0xbc: {  	s0 =	sadd.s32 $0x8F2B, s0  }
0xbd: {  	[sflag:s0] =	ssyncadd.remote.s32 $0x1  }
0xbe: {  	_ =	sfence.sel $0xFFFF  }
0xbf: {  	[dreg:$0x0] =	wrdreg $0xFFFFFFFF;
	(pc) =	sbr.abs _section_cstart, $3  }
0xc0: {  	[dreg:$0x1] =	wrdreg $0xFFFFFFFF  }
0xc1: {  	_ =	task.clear_ibuf [dreg:s7], $0x2FFFF;
	_ =	strace $0x9FFFFFFF  }
0xc2: {  	(tm) =	ssettm $0x7FFFFFFF  }
0xc3: {  	_ =	shalt  }
tec
execute0_lowered:
.L_overlay_start_1:
0x0: {  	(tag) =	ssettag $0x1  }
0x1: {  	s3 =	rddreg [dreg:$0x0]  }
0x2: {  	s4 =	rddreg [dreg:$0x1];
	s2 =	srdreg.scid  }
0x3: {  	s0 =	rddreg [dreg:$0x2];
	s1 =	stileid.u32;
	s10 =	simm.s32 $0x0  }
0x4: {  	s5 =	sand.u32 $0x1, s2;
	s8 =	sshrl.u32 s1, $0x3;
	s2 =	simm.s32 $0x0  }
0x5: {  	s9 =	sshll.u32 s1, $0x7;
	s6 =	sshll.u32 s5, $0x4;
	s7 =	smul.u32 $0x27800, s5  }
0x6: {  	s8 =	smul.u32 $0x13C00, s8;
	[smem:$0x7FF] =	sst s2;
	s29 =	sand.u32 $0x380, s9  }
0x7: {  	s5 =	ssub.s32 $0x2, s5;
	s9 =	simm.s32 $0x400;
	s6 =	sor.u32 s1, s6  }
0x8: {  	_ =	strace $0x80000047;
	s30 =	sshrl.u32 s5, $0x1;
	s6 =	smul.u32 $0x2800, s6  }
0x9: {  	s7 =	sadd.s32 s7, s8;
	s5 =	ssub.s32 s5, s30;
	s8 =	simm.s32 $0x80  }
0xa: {  	s7 =	sor.u32 s29, s7;
	s5 =	smax.u32 s5, $0x1;
	s6 =	sshrl.u32 s6, $0x3  }
0xb: {  	s31 =	sshrl.u32 s7, $0x3;
	s7 =	simm.s32 $0x2800;
	s3 =	sadd.s32 s3, s6  }
0xc: {  	v0 =	vimm.f32 $0.0e+00;
	v1 =	vimm.f32 $1.000000000e+00;
	s4 =	sadd.s32 s4, s31;
	s6 =	simm.s32 $0x1;
	s3 =	sadd.s32 $0xC600, s3  }
.LBB2_1:
0xd: {  	[tilespmem:s2], [sflag:$0x1] =	stream.linear.gather [hbm4b:s3+s2], $0x2800, $0x38;
	[tilespmem:$0x4F80] =	vst v63  }
0xe: {  	_ =	swait.ge [sflag:s6], $0x2800  }
0xf: {  	[sflag:s6] =	ssyncset.done $0x0  }
0x10: {  	s11 =	simm.s32 $0x0;
	[sflag:s6] =	ssyncadd.s32 $0xFFFFD800  }
.LBB2_2:
0x11: {  	p0 =	sne.s32 s11, $0x9DC0  }
.Ltmp0:
0x12: {  	_ = 	snop;
	(pc) =	sbr.rel @p0 .LBB2_2-.Ltmp0, $3  }
0x13: {  	_ =	sdelay $0x1  }
0x14: {  	s12 =	sshra.s32 s11, $0x2  }
0x15: {  	s11 =	sadd.s32 $0x40, s11;
	[tilespmem:s12+$0x2800] =	vst v0  }
0x16: {  	s11 =	simm.s32 $0x0  }
.LBB2_4:
0x17: {  	s12 =	sshra.s32 s11, $0x2  }
0x18: {  	v2 =	vld [tilespmem:s12+$0x0];
	_ =	sdelay $0x7  }
0x19: {  	[tilespmem:v2+s7+$0x0] =	vst.idx.add.f32.msk $0xffff, v1  }
0x1a: {  	v2 =	vld [tilespmem:s12+$0x10];
	_ =	sdelay $0x7  }
0x1b: {  	[tilespmem:v2+s7+$0x0] =	vst.idx.add.f32.msk $0xffff, v1  }
0x1c: {  	v2 =	vld [tilespmem:s12+$0x20];
	_ =	sdelay $0x7  }
0x1d: {  	[tilespmem:v2+s7+$0x0] =	vst.idx.add.f32.msk $0xffff, v1  }
0x1e: {  	v2 =	vld [tilespmem:s12+$0x30];
	_ =	sdelay $0x7  }
0x1f: {  	[tilespmem:v2+s7+$0x0] =	vst.idx.add.f32.msk $0xffff, v1  }
0x20: {  	v2 =	vld [tilespmem:s12+$0x40];
	_ =	sdelay $0x7  }
0x21: {  	[tilespmem:v2+s7+$0x0] =	vst.idx.add.f32.msk $0xffff, v1  }
0x22: {  	v2 =	vld [tilespmem:s12+$0x50];
	_ =	sdelay $0x7  }
0x23: {  	[tilespmem:v2+s7+$0x0] =	vst.idx.add.f32.msk $0xffff, v1  }
0x24: {  	v2 =	vld [tilespmem:s12+$0x60];
	_ =	sdelay $0x7  }
0x25: {  	[tilespmem:v2+s7+$0x0] =	vst.idx.add.f32.msk $0xffff, v1  }
0x26: {  	v2 =	vld [tilespmem:s12+$0x70];
	_ =	sdelay $0x2  }
0x27: {  	p0 =	sne.s32 s11, $0x9E00  }
.Ltmp1:
0x28: {  	_ = 	snop;
	(pc) =	sbr.rel @p0 .LBB2_4-.Ltmp1, $2  }
0x29: {  	_ =	sdelay $0x2  }
0x2a: {  	s11 =	sadd.s32 $0x200, s11;
	[tilespmem:v2+s7+$0x0] =	vst.idx.add.f32.msk $0xffff, v1  }
0x2b: {  	s10 =	sadd.s32 $0x1, s10  }
0x2c: {  	p0 =	sne.s32 s10, s5  }
.Ltmp2:
0x2d: {  	_ = 	snop;
	(pc) =	sbr.rel @p0 .LBB2_1-.Ltmp2, $4  }
0x2e: {  	[hbm4b:s4+s8] =	stream.strided.scatter [tilespmem:s7], [sflag:$0x1], $0x2780, s9, s8, $0x38;
	[tilespmem:$0x4F80] =	vst v63  }
0x2f: {  	_ =	swait.ge [sflag:s6], $0x2780  }
0x30: {  	[sflag:s6] =	ssyncset.done $0x0  }
0x31: {  	[sflag:s6] =	ssyncadd.s32 $0xFFFFD880  }
0x32: {  	_ =	sfence.sel $0x180000  }
0x33: {  	[bflag:$0x0] =	sbarrier.arrive $0xFFFF  }
0x34: {  	p0 =	sne.s32 s1, $0x0;
	_ =	strace $0x90000047  }
0x35: {  	s0 =	sadd.s32 @!p0 $0x100000, s0;
	[bflag:$0x2] =	sbarrier.arrive $0xFFFF  }
0x36: {  	[sflag:s0] =	ssyncadd.tile.s32 @!p0 $0x1;
	_ =	shalt  }
.Lfunc_end2:
_tile_overlayer_lowered:
.L_overlay_start_2:
0x37: {  	(tag) =	ssettag $0x2  }
0x38: {  	s0 =	rddreg [dreg:$0x0];
	s2 =	stileid.u32  }
0x39: {  	s1 =	rddreg [dreg:$0x1];
	p0 =	sne.s32 s2, $0x0  }
0x3a: {  	s3 =	rddreg [dreg:$0x2];
	[bflag:$0x3] =	sbarrier.arrive $0xFFFF;
	s2 =	simm.s32 @!p0 $0x1C01  }
0x3b: {  	[timem:s3], [sflag:s2] =	dma.local @!p0 [hbm:s0], s1  }
0x3c: {  	s0 =	simm.s32 @!p0 $0x1  }
0x3d: {  	_ =	swait.ge @!p0 [sflag:s0], s1  }
0x3e: {  	s1 =	ssub.s32 @!p0 $0x0, s1;
	[sflag:s0] =	ssyncset.done @!p0 $0x0  }
0x3f: {  	[sflag:s0] =	ssyncadd.s32 @!p0 s1  }
0x40: {  	[bflag:$0x3] =	sbarrier.arrive $0xFFFF  }
0x41: {  	_ =	shalt  }

</sc_bundles>
